<compile_context>
chip_gen: v7x
topology: tpu7x:2x2x1
jax: 0.10.2.dev20260603
libtpu: 0.0.44.dev20260713+nightly
codegen_flags: <defaults>
</compile_context>

<pallas_src>
import functools

import jax
import jax.numpy as jnp
from jax import lax
from jax.experimental import pallas as pl
from jax.experimental.pallas import tpu as pltpu
from jax.experimental.pallas import tpu_sc as plsc


@functools.lru_cache(maxsize=None)
def _make_gather(batch: int, seq: int, vocab: int, hidden: int):
    info = plsc.get_sparse_core_info()
    num_cores, num_subcores = info.num_cores, info.num_subcores
    num_workers = num_cores * num_subcores
    n_total = batch * seq
    assert n_total % num_workers == 0
    n_per_w = n_total // num_workers
    assert seq % n_per_w == 0
    chunk = 16
    nbuf = 4
    la = 3
    assert n_per_w % chunk == 0
    n_chunks = n_per_w // chunk
    n_groups = n_chunks // nbuf
    assert n_chunks % nbuf == 0 and la < nbuf

    mesh = plsc.VectorSubcoreMesh(core_axis_name="c", subcore_axis_name="s")

    @functools.partial(
        pl.kernel,
        mesh=mesh,
        out_type=jax.ShapeDtypeStruct((batch, seq, hidden), jnp.float32),
        scratch_types=[
            pltpu.VMEM((n_per_w,), jnp.int32),
        ]
        + [pltpu.VMEM((chunk, hidden), jnp.float32) for _ in range(nbuf)]
        + [pltpu.SemaphoreType.DMA for _ in range(2 * nbuf + 2)],
    )
    def gather_kernel(table_hbm, idx_hbm, out_hbm, idx_v, *scratch):
        bufs = scratch[:nbuf]
        gsems = scratch[nbuf : 2 * nbuf]
        ssems = scratch[2 * nbuf : 3 * nbuf]
        isem_h = scratch[3 * nbuf]
        isem_t = scratch[3 * nbuf + 1]
        wid = lax.axis_index("s") * num_cores + lax.axis_index("c")
        row = wid // (seq // n_per_w)
        col = (wid % (seq // n_per_w)) * n_per_w
        head = 128
        h_idx = pltpu.async_copy(
            idx_hbm.at[row, pl.ds(col, head)], idx_v.at[pl.ds(0, head)], isem_h
        )
        t_idx = pltpu.async_copy(
            idx_hbm.at[row, pl.ds(col + head, n_per_w - head)],
            idx_v.at[pl.ds(head, n_per_w - head)],
            isem_t,
        )
        h_idx.wait()

        def issue_gather(c, b):
            pltpu.async_copy(
                table_hbm.at[idx_v.at[pl.ds(c * chunk, chunk)]],
                bufs[b], gsems[b],
            )

        def issue_store(d, b):
            pltpu.async_copy(
                bufs[b], out_hbm.at[row, pl.ds(col + d * chunk, chunk)],
                ssems[b],
            )

        def wait_gather(b):
            pltpu.make_async_copy(
                table_hbm.at[idx_v.at[pl.ds(0, chunk)]], bufs[b], gsems[b]
            ).wait()

        def wait_store(b):
            pltpu.make_async_copy(
                bufs[b], out_hbm.at[row, pl.ds(col, chunk)], ssems[b]
            ).wait()

        for c in range(nbuf):
            issue_gather(c, c)
            d = c - la
            if d >= 0:
                wait_gather(d)
                issue_store(d, d)

        t_idx.wait()

        @pl.loop(1, n_groups)
        def _grp(grp):
            for b in range(nbuf):
                c = grp * nbuf + b
                wait_store(b)
                issue_gather(c, b)
                bd = (b - la) % nbuf
                wait_gather(bd)
                issue_store(c - la, bd)

        for d in range(n_chunks - la, n_chunks):
            b = d % nbuf
            wait_gather(b)
            issue_store(d, b)
        for b in range(nbuf):
            wait_store(b)

    return gather_kernel


def kernel(input_ids, embed_tokens):
    b, s = input_ids.shape
    vocab, hidden = embed_tokens.shape
    gather = _make_gather(b, s, vocab, hidden)
    return gather(embed_tokens, input_ids.astype(jnp.int32))

# --- scband reference (transcript-rebuilt; emitter-appended) ---
"""Pipeline reference for scband-dummy-llmbackbone-21955872817389 (READ-ONLY COPY).

The authoritative reference and input builder live on the scoring server;
editing this copy changes nothing except your own understanding.
"""

import jax, jax.numpy as jnp
import numpy as np

VOCAB = 151936
HIDDEN = 1024
B = 4
S = 4096

def setup_inputs(seed: int = 0) -> dict:
    key = jax.random.key(seed)
    k_ids, k_tbl = jax.random.split(key)
    input_ids = jax.random.randint(k_ids, (B, S), 0, VOCAB, dtype=jnp.int64 if jax.config.read('jax_enable_x64') else jnp.int32)
    # learned parameter: llm.model.language_model.embed_tokens weight [vocab, hidden]
    embed_tokens = jax.random.normal(k_tbl, (VOCAB, HIDDEN), dtype=jnp.float32) * 0.02
    return {"input_ids": input_ids, "embed_tokens": embed_tokens}

def reference(input_ids, embed_tokens):
    # DummyLLMBackbone.embed_input_ids: nn.Embedding lookup on the LLM's token embedding table.
    # The wrapper itself adds no math; the only tensor computation it exposes is this gather.
    return jnp.take(embed_tokens, input_ids, axis=0)

if __name__ == "__main__":
    import jax
    _d = setup_inputs()
    print(jax.jit(kernel)(*tuple(_d.values())))

</pallas_src>

<mosaic_0001>
#map = affine_map<(d0, d1) -> (0, 0)>
#map1 = affine_map<(d0, d1) -> (0, 0, 0)>
module attributes {stable_mosaic.version = 14 : i64} {
  func.func @gather_kernel(%arg0: i32, %arg1: i32, %arg2: memref<151936x1024xf32, #tpu.memory_space<hbm>>, %arg3: memref<4x4096xi32, #tpu.memory_space<hbm>>, %arg4: memref<4x4096x1024xf32, #tpu.memory_space<hbm>>, %arg5: memref<512xi32, #tpu.memory_space<vmem>>, %arg6: memref<16x1024xf32, #tpu.memory_space<vmem>>, %arg7: memref<16x1024xf32, #tpu.memory_space<vmem>>, %arg8: memref<16x1024xf32, #tpu.memory_space<vmem>>, %arg9: memref<16x1024xf32, #tpu.memory_space<vmem>>, %arg10: memref<!tpu.dma_semaphore, #tpu.memory_space<semaphore_mem>>, %arg11: memref<!tpu.dma_semaphore, #tpu.memory_space<semaphore_mem>>, %arg12: memref<!tpu.dma_semaphore, #tpu.memory_space<semaphore_mem>>, %arg13: memref<!tpu.dma_semaphore, #tpu.memory_space<semaphore_mem>>, %arg14: memref<!tpu.dma_semaphore, #tpu.memory_space<semaphore_mem>>, %arg15: memref<!tpu.dma_semaphore, #tpu.memory_space<semaphore_mem>>, %arg16: memref<!tpu.dma_semaphore, #tpu.memory_space<semaphore_mem>>, %arg17: memref<!tpu.dma_semaphore, #tpu.memory_space<semaphore_mem>>, %arg18: memref<!tpu.dma_semaphore, #tpu.memory_space<semaphore_mem>>, %arg19: memref<!tpu.dma_semaphore, #tpu.memory_space<semaphore_mem>>) attributes {dimension_semantics = [#tpu.dimension_semantics<core_parallel>, #tpu.dimension_semantics<subcore_parallel>], iteration_bounds = array<i64: 2, 16>, scalar_prefetch = 0 : i64, scratch_operands = 15 : i64, tpu.core_type = #tpu.core_type<sc_vector_subcore>, window_params = [{transform_indices = #map}, {transform_indices = #map}, {transform_indices = #map1}]} {
    %mul3A = arith.constant 2 : i32
    %mul3A_0 = arith.muli %arg1, %mul3A : i32
    %add3A = arith.addi %mul3A_0, %arg0 : i32
    %jit3A = arith.constant 8 : i32
    %div3A = arith.divsi %add3A, %jit3A : i32
    %sign3A = arith.constant 0 : i32
    %sign3A_1 = arith.cmpi sgt, %add3A, %sign3A : i32
    %sign3A_2 = arith.extui %sign3A_1 : i1 to i32
    %sign3A_3 = arith.constant 0 : i32
    %sign3A_4 = arith.cmpi slt, %add3A, %sign3A_3 : i32
    %sign3A_5 = arith.extui %sign3A_4 : i1 to i32
    %sign3A_6 = arith.subi %sign3A_2, %sign3A_5 : i32
    %sign3A_7 = arith.constant 0 : i32
    %sign3A_8 = arith.cmpi sgt, %jit3A, %sign3A_7 : i32
    %sign3A_9 = arith.extui %sign3A_8 : i1 to i32
    %sign3A_10 = arith.constant 0 : i32
    %sign3A_11 = arith.cmpi slt, %jit3A, %sign3A_10 : i32
    %sign3A_12 = arith.extui %sign3A_11 : i1 to i32
    %sign3A_13 = arith.subi %sign3A_9, %sign3A_12 : i32
    %ne3A = arith.cmpi ne, %sign3A_6, %sign3A_13 : i32
    %rem3A = arith.remsi %add3A, %jit3A : i32
    %ne3A_14 = arith.constant 0 : i32
    %ne3A_15 = arith.cmpi ne, %rem3A, %ne3A_14 : i32
    %and3A = arith.andi %ne3A, %ne3A_15 : i1
    %sub3A = arith.constant 1 : i32
    %sub3A_16 = arith.subi %div3A, %sub3A : i32
    %select_n3A = arith.select %and3A, %sub3A_16, %div3A : i32
    %jit3A_17 = arith.constant 8 : i32
    %eq3A = arith.constant 0 : i32
    %eq3A_18 = arith.cmpi eq, %jit3A_17, %eq3A : i32
    %jit3A_19 = arith.constant 1 : i32
    %select_n3A_20 = arith.select %eq3A_18, %jit3A_19, %jit3A_17 : i32
    %rem3A_21 = arith.remsi %add3A, %select_n3A_20 : i32
    %ne3A_22 = arith.constant 0 : i32
    %ne3A_23 = arith.cmpi ne, %rem3A_21, %ne3A_22 : i32
    %lt3A = arith.constant 0 : i32
    %lt3A_24 = arith.cmpi slt, %rem3A_21, %lt3A : i32
    %lt3A_25 = arith.constant 0 : i32
    %lt3A_26 = arith.cmpi slt, %select_n3A_20, %lt3A_25 : i32
    %ne3A_27 = arith.xori %lt3A_24, %lt3A_26 : i1
    %and3A_28 = arith.andi %ne3A_27, %ne3A_23 : i1
    %add3A_29 = arith.addi %rem3A_21, %select_n3A_20 : i32
    %select_n3A_30 = arith.select %and3A_28, %add3A_29, %rem3A_21 : i32
    %mul3A_31 = arith.constant 512 : i32
    %mul3A_32 = arith.muli %select_n3A_30, %mul3A_31 : i32
    %dma_start3A = arith.constant 0 : i32
    %dma_start3A_33 = tpu.memref_slice %arg5[%dma_start3A] : memref<512xi32, #tpu.memory_space<vmem>> -> memref<128xi32, #tpu.memory_space<vmem>>
    %dma_start3A_34 = tpu.memref_slice %arg3[%select_n3A, %mul3A_32] : memref<4x4096xi32, #tpu.memory_space<hbm>> -> memref<1x128xi32, #tpu.memory_space<hbm>>
    %dma_start3A_35 = tpu.memref_squeeze %dma_start3A_34 : memref<1x128xi32, #tpu.memory_space<hbm>> -> memref<128xi32, #tpu.memory_space<hbm>>
    %dma_start3A_36 = arith.constant 0 : i32
    %dma_start3A_37 = tpu.memref_slice %arg5[%dma_start3A_36] : memref<512xi32, #tpu.memory_space<vmem>> -> memref<128xi32, #tpu.memory_space<vmem>>
    %dma_start3A_38 = tpu.memref_slice %arg3[%select_n3A, %mul3A_32] : memref<4x4096xi32, #tpu.memory_space<hbm>> -> memref<1x128xi32, #tpu.memory_space<hbm>>
    %dma_start3A_39 = tpu.memref_squeeze %dma_start3A_38 : memref<1x128xi32, #tpu.memory_space<hbm>> -> memref<128xi32, #tpu.memory_space<hbm>>
    tpu.enqueue_dma source(%dma_start3A_39 : memref<128xi32, #tpu.memory_space<hbm>>) target(%dma_start3A_37 : memref<128xi32, #tpu.memory_space<vmem>>) target_semaphore(%arg18 : memref<!tpu.dma_semaphore, #tpu.memory_space<semaphore_mem>>)
    %add3A_40 = arith.constant 128 : i32
    %add3A_41 = arith.addi %mul3A_32, %add3A_40 : i32
    %dma_start3A_42 = arith.constant 128 : i32
    %dma_start3A_43 = tpu.memref_slice %arg5[%dma_start3A_42] : memref<512xi32, #tpu.memory_space<vmem>> -> memref<384xi32, #tpu.memory_space<vmem>>
    %dma_start3A_44 = tpu.memref_slice %arg3[%select_n3A, %add3A_41] : memref<4x4096xi32, #tpu.memory_space<hbm>> -> memref<1x384xi32, #tpu.memory_space<hbm>>
    %dma_start3A_45 = tpu.memref_squeeze %dma_start3A_44 : memref<1x384xi32, #tpu.memory_space<hbm>> -> memref<384xi32, #tpu.memory_space<hbm>>
    %dma_start3A_46 = arith.constant 128 : i32
    %dma_start3A_47 = tpu.memref_slice %arg5[%dma_start3A_46] : memref<512xi32, #tpu.memory_space<vmem>> -> memref<384xi32, #tpu.memory_space<vmem>>
    %dma_start3A_48 = tpu.memref_slice %arg3[%select_n3A, %add3A_41] : memref<4x4096xi32, #tpu.memory_space<hbm>> -> memref<1x384xi32, #tpu.memory_space<hbm>>
    %dma_start3A_49 = tpu.memref_squeeze %dma_start3A_48 : memref<1x384xi32, #tpu.memory_space<hbm>> -> memref<384xi32, #tpu.memory_space<hbm>>
    tpu.enqueue_dma source(%dma_start3A_49 : memref<384xi32, #tpu.memory_space<hbm>>) target(%dma_start3A_47 : memref<384xi32, #tpu.memory_space<vmem>>) target_semaphore(%arg19 : memref<!tpu.dma_semaphore, #tpu.memory_space<semaphore_mem>>)
    %dma_wait3A = arith.constant 0 : i32
    %dma_wait3A_50 = tpu.memref_slice %arg5[%dma_wait3A] : memref<512xi32, #tpu.memory_space<vmem>> -> memref<128xi32, #tpu.memory_space<vmem>>
    %dma_wait3A_51 = tpu.memref_slice %arg3[%select_n3A, %mul3A_32] : memref<4x4096xi32, #tpu.memory_space<hbm>> -> memref<1x128xi32, #tpu.memory_space<hbm>>
    %dma_wait3A_52 = tpu.memref_squeeze %dma_wait3A_51 : memref<1x128xi32, #tpu.memory_space<hbm>> -> memref<128xi32, #tpu.memory_space<hbm>>
    %dma_wait3A_53 = arith.constant 0 : i32
    %dma_wait3A_54 = tpu.memref_slice %arg5[%dma_wait3A_53] : memref<512xi32, #tpu.memory_space<vmem>> -> memref<128xi32, #tpu.memory_space<vmem>>
    %dma_wait3A_55 = tpu.memref_slice %arg3[%select_n3A, %mul3A_32] : memref<4x4096xi32, #tpu.memory_space<hbm>> -> memref<1x128xi32, #tpu.memory_space<hbm>>
    %dma_wait3A_56 = tpu.memref_squeeze %dma_wait3A_55 : memref<1x128xi32, #tpu.memory_space<hbm>> -> memref<128xi32, #tpu.memory_space<hbm>>
    tpu.wait_dma2 semaphore(%arg18 : memref<!tpu.dma_semaphore, #tpu.memory_space<semaphore_mem>>) src(%dma_wait3A_56 : memref<128xi32, #tpu.memory_space<hbm>>) dst(%dma_wait3A_54 : memref<128xi32, #tpu.memory_space<vmem>>)
    %dma_start3A_57 = arith.constant 0 : i32
    %dma_start3A_58 = tpu.memref_slice %arg5[%dma_start3A_57] : memref<512xi32, #tpu.memory_space<vmem>> -> memref<16xi32, #tpu.memory_space<vmem>>
    %dma_start3A_59 = arith.constant 0 : i32
    %dma_start3A_60 = arith.constant 0 : i32
    %dma_start3A_61 = tpu.memref_slice %arg2[%dma_start3A_59, %dma_start3A_60] : memref<151936x1024xf32, #tpu.memory_space<hbm>> -> memref<151936x1024xf32, #tpu.memory_space<hbm>>
    tpu.enqueue_indirect_dma source(%dma_start3A_61 : memref<151936x1024xf32, #tpu.memory_space<hbm>>) target(%arg6 : memref<16x1024xf32, #tpu.memory_space<vmem>>) offsets(%dma_start3A_58 : memref<16xi32, #tpu.memory_space<vmem>>) semaphore(%arg10 : memref<!tpu.dma_semaphore, #tpu.memory_space<semaphore_mem>>)
    %dma_start3A_62 = arith.constant 16 : i32
    %dma_start3A_63 = tpu.memref_slice %arg5[%dma_start3A_62] : memref<512xi32, #tpu.memory_space<vmem>> -> memref<16xi32, #tpu.memory_space<vmem>>
    %dma_start3A_64 = arith.constant 0 : i32
    %dma_start3A_65 = arith.constant 0 : i32
    %dma_start3A_66 = tpu.memref_slice %arg2[%dma_start3A_64, %dma_start3A_65] : memref<151936x1024xf32, #tpu.memory_space<hbm>> -> memref<151936x1024xf32, #tpu.memory_space<hbm>>
    tpu.enqueue_indirect_dma source(%dma_start3A_66 : memref<151936x1024xf32, #tpu.memory_space<hbm>>) target(%arg7 : memref<16x1024xf32, #tpu.memory_space<vmem>>) offsets(%dma_start3A_63 : memref<16xi32, #tpu.memory_space<vmem>>) semaphore(%arg11 : memref<!tpu.dma_semaphore, #tpu.memory_space<semaphore_mem>>)
    %dma_start3A_67 = arith.constant 32 : i32
    %dma_start3A_68 = tpu.memref_slice %arg5[%dma_start3A_67] : memref<512xi32, #tpu.memory_space<vmem>> -> memref<16xi32, #tpu.memory_space<vmem>>
    %dma_start3A_69 = arith.constant 0 : i32
    %dma_start3A_70 = arith.constant 0 : i32
    %dma_start3A_71 = tpu.memref_slice %arg2[%dma_start3A_69, %dma_start3A_70] : memref<151936x1024xf32, #tpu.memory_space<hbm>> -> memref<151936x1024xf32, #tpu.memory_space<hbm>>
    tpu.enqueue_indirect_dma source(%dma_start3A_71 : memref<151936x1024xf32, #tpu.memory_space<hbm>>) target(%arg8 : memref<16x1024xf32, #tpu.memory_space<vmem>>) offsets(%dma_start3A_68 : memref<16xi32, #tpu.memory_space<vmem>>) semaphore(%arg12 : memref<!tpu.dma_semaphore, #tpu.memory_space<semaphore_mem>>)
    %dma_start3A_72 = arith.constant 48 : i32
    %dma_start3A_73 = tpu.memref_slice %arg5[%dma_start3A_72] : memref<512xi32, #tpu.memory_space<vmem>> -> memref<16xi32, #tpu.memory_space<vmem>>
    %dma_start3A_74 = arith.constant 0 : i32
    %dma_start3A_75 = arith.constant 0 : i32
    %dma_start3A_76 = tpu.memref_slice %arg2[%dma_start3A_74, %dma_start3A_75] : memref<151936x1024xf32, #tpu.memory_space<hbm>> -> memref<151936x1024xf32, #tpu.memory_space<hbm>>
    tpu.enqueue_indirect_dma source(%dma_start3A_76 : memref<151936x1024xf32, #tpu.memory_space<hbm>>) target(%arg9 : memref<16x1024xf32, #tpu.memory_space<vmem>>) offsets(%dma_start3A_73 : memref<16xi32, #tpu.memory_space<vmem>>) semaphore(%arg13 : memref<!tpu.dma_semaphore, #tpu.memory_space<semaphore_mem>>)
    %dma_wait3A_77 = arith.constant 0 : i32
    %dma_wait3A_78 = tpu.memref_slice %arg5[%dma_wait3A_77] : memref<512xi32, #tpu.memory_space<vmem>> -> memref<16xi32, #tpu.memory_space<vmem>>
    %dma_wait3A_79 = arith.constant 0 : i32
    %dma_wait3A_80 = arith.constant 0 : i32
    %dma_wait3A_81 = tpu.memref_slice %arg2[%dma_wait3A_79, %dma_wait3A_80] : memref<151936x1024xf32, #tpu.memory_space<hbm>> -> memref<151936x1024xf32, #tpu.memory_space<hbm>>
    tpu.wait_indirect_dma semaphore(%arg10 : memref<!tpu.dma_semaphore, #tpu.memory_space<semaphore_mem>>) src(%dma_wait3A_81 : memref<151936x1024xf32, #tpu.memory_space<hbm>>) dst(%arg6 : memref<16x1024xf32, #tpu.memory_space<vmem>>)
    %add3A_82 = arith.constant 0 : i32
    %add3A_83 = arith.addi %mul3A_32, %add3A_82 : i32
    %dma_start3A_84 = arith.constant 0 : i32
    %dma_start3A_85 = tpu.memref_slice %arg4[%select_n3A, %add3A_83, %dma_start3A_84] : memref<4x4096x1024xf32, #tpu.memory_space<hbm>> -> memref<1x16x1024xf32, #tpu.memory_space<hbm>>
    %dma_start3A_86 = tpu.memref_squeeze %dma_start3A_85 : memref<1x16x1024xf32, #tpu.memory_space<hbm>> -> memref<16x1024xf32, #tpu.memory_space<hbm>>
    %dma_start3A_87 = arith.constant 0 : i32
    %dma_start3A_88 = tpu.memref_slice %arg4[%select_n3A, %add3A_83, %dma_start3A_87] : memref<4x4096x1024xf32, #tpu.memory_space<hbm>> -> memref<1x16x1024xf32, #tpu.memory_space<hbm>>
    %dma_start3A_89 = tpu.memref_squeeze %dma_start3A_88 : memref<1x16x1024xf32, #tpu.memory_space<hbm>> -> memref<16x1024xf32, #tpu.memory_space<hbm>>
    tpu.enqueue_dma source(%arg6 : memref<16x1024xf32, #tpu.memory_space<vmem>>) target(%dma_start3A_89 : memref<16x1024xf32, #tpu.memory_space<hbm>>) target_semaphore(%arg14 : memref<!tpu.dma_semaphore, #tpu.memory_space<semaphore_mem>>)
    %dma_wait3A_90 = arith.constant 128 : i32
    %dma_wait3A_91 = tpu.memref_slice %arg5[%dma_wait3A_90] : memref<512xi32, #tpu.memory_space<vmem>> -> memref<384xi32, #tpu.memory_space<vmem>>
    %dma_wait3A_92 = tpu.memref_slice %arg3[%select_n3A, %add3A_41] : memref<4x4096xi32, #tpu.memory_space<hbm>> -> memref<1x384xi32, #tpu.memory_space<hbm>>
    %dma_wait3A_93 = tpu.memref_squeeze %dma_wait3A_92 : memref<1x384xi32, #tpu.memory_space<hbm>> -> memref<384xi32, #tpu.memory_space<hbm>>
    %dma_wait3A_94 = arith.constant 128 : i32
    %dma_wait3A_95 = tpu.memref_slice %arg5[%dma_wait3A_94] : memref<512xi32, #tpu.memory_space<vmem>> -> memref<384xi32, #tpu.memory_space<vmem>>
    %dma_wait3A_96 = tpu.memref_slice %arg3[%select_n3A, %add3A_41] : memref<4x4096xi32, #tpu.memory_space<hbm>> -> memref<1x384xi32, #tpu.memory_space<hbm>>
    %dma_wait3A_97 = tpu.memref_squeeze %dma_wait3A_96 : memref<1x384xi32, #tpu.memory_space<hbm>> -> memref<384xi32, #tpu.memory_space<hbm>>
    tpu.wait_dma2 semaphore(%arg19 : memref<!tpu.dma_semaphore, #tpu.memory_space<semaphore_mem>>) src(%dma_wait3A_97 : memref<384xi32, #tpu.memory_space<hbm>>) dst(%dma_wait3A_95 : memref<384xi32, #tpu.memory_space<vmem>>)
    %scan3A = arith.constant 0 : i32
    %scan3A_98 = arith.constant 7 : i32
    %scan3A_99 = arith.addi %scan3A, %scan3A_98 : i32
    %scan3A_100 = arith.constant 1 : i32
    scf.for %scan3A_165 = %scan3A to %scan3A_99 step %scan3A_100  : i32 {
      %mul3A_166 = arith.constant 1 : i32
      %mul3A_167 = arith.muli %scan3A_165, %mul3A_166 : i32
      %add3A_168 = arith.constant 1 : i32
      %add3A_169 = arith.addi %add3A_168, %mul3A_167 : i32
      %mul3A_170 = arith.constant 4 : i32
      %mul3A_171 = arith.muli %add3A_169, %mul3A_170 : i32
      %add3A_172 = arith.constant 0 : i32
      %add3A_173 = arith.addi %mul3A_171, %add3A_172 : i32
      %dma_wait3A_174 = arith.constant 0 : i32
      %dma_wait3A_175 = tpu.memref_slice %arg4[%select_n3A, %mul3A_32, %dma_wait3A_174] : memref<4x4096x1024xf32, #tpu.memory_space<hbm>> -> memref<1x16x1024xf32, #tpu.memory_space<hbm>>
      %dma_wait3A_176 = tpu.memref_squeeze %dma_wait3A_175 : memref<1x16x1024xf32, #tpu.memory_space<hbm>> -> memref<16x1024xf32, #tpu.memory_space<hbm>>
      %dma_wait3A_177 = arith.constant 0 : i32
      %dma_wait3A_178 = tpu.memref_slice %arg4[%select_n3A, %mul3A_32, %dma_wait3A_177] : memref<4x4096x1024xf32, #tpu.memory_space<hbm>> -> memref<1x16x1024xf32, #tpu.memory_space<hbm>>
      %dma_wait3A_179 = tpu.memref_squeeze %dma_wait3A_178 : memref<1x16x1024xf32, #tpu.memory_space<hbm>> -> memref<16x1024xf32, #tpu.memory_space<hbm>>
      tpu.wait_dma2 semaphore(%arg14 : memref<!tpu.dma_semaphore, #tpu.memory_space<semaphore_mem>>) src(%arg6 : memref<16x1024xf32, #tpu.memory_space<vmem>>) dst(%dma_wait3A_179 : memref<16x1024xf32, #tpu.memory_space<hbm>>)
      %mul3A_180 = arith.constant 16 : i32
      %mul3A_181 = arith.muli %add3A_173, %mul3A_180 : i32
      %dma_start3A_182 = tpu.memref_slice %arg5[%mul3A_181] : memref<512xi32, #tpu.memory_space<vmem>> -> memref<16xi32, #tpu.memory_space<vmem>>
      %dma_start3A_183 = arith.constant 0 : i32
      %dma_start3A_184 = arith.constant 0 : i32
      %dma_start3A_185 = tpu.memref_slice %arg2[%dma_start3A_183, %dma_start3A_184] : memref<151936x1024xf32, #tpu.memory_space<hbm>> -> memref<151936x1024xf32, #tpu.memory_space<hbm>>
      tpu.enqueue_indirect_dma source(%dma_start3A_185 : memref<151936x1024xf32, #tpu.memory_space<hbm>>) target(%arg6 : memref<16x1024xf32, #tpu.memory_space<vmem>>) offsets(%dma_start3A_182 : memref<16xi32, #tpu.memory_space<vmem>>) semaphore(%arg10 : memref<!tpu.dma_semaphore, #tpu.memory_space<semaphore_mem>>)
      %dma_wait3A_186 = arith.constant 0 : i32
      %dma_wait3A_187 = tpu.memref_slice %arg5[%dma_wait3A_186] : memref<512xi32, #tpu.memory_space<vmem>> -> memref<16xi32, #tpu.memory_space<vmem>>
      %dma_wait3A_188 = arith.constant 0 : i32
      %dma_wait3A_189 = arith.constant 0 : i32
      %dma_wait3A_190 = tpu.memref_slice %arg2[%dma_wait3A_188, %dma_wait3A_189] : memref<151936x1024xf32, #tpu.memory_space<hbm>> -> memref<151936x1024xf32, #tpu.memory_space<hbm>>
      tpu.wait_indirect_dma semaphore(%arg11 : memref<!tpu.dma_semaphore, #tpu.memory_space<semaphore_mem>>) src(%dma_wait3A_190 : memref<151936x1024xf32, #tpu.memory_space<hbm>>) dst(%arg7 : memref<16x1024xf32, #tpu.memory_space<vmem>>)
      %sub3A_191 = arith.constant 3 : i32
      %sub3A_192 = arith.subi %add3A_173, %sub3A_191 : i32
      %mul3A_193 = arith.constant 16 : i32
      %mul3A_194 = arith.muli %sub3A_192, %mul3A_193 : i32
      %add3A_195 = arith.addi %mul3A_32, %mul3A_194 : i32
      %dma_start3A_196 = arith.constant 0 : i32
      %dma_start3A_197 = tpu.memref_slice %arg4[%select_n3A, %add3A_195, %dma_start3A_196] : memref<4x4096x1024xf32, #tpu.memory_space<hbm>> -> memref<1x16x1024xf32, #tpu.memory_space<hbm>>
      %dma_start3A_198 = tpu.memref_squeeze %dma_start3A_197 : memref<1x16x1024xf32, #tpu.memory_space<hbm>> -> memref<16x1024xf32, #tpu.memory_space<hbm>>
      %dma_start3A_199 = arith.constant 0 : i32
      %dma_start3A_200 = tpu.memref_slice %arg4[%select_n3A, %add3A_195, %dma_start3A_199] : memref<4x4096x1024xf32, #tpu.memory_space<hbm>> -> memref<1x16x1024xf32, #tpu.memory_space<hbm>>
      %dma_start3A_201 = tpu.memref_squeeze %dma_start3A_200 : memref<1x16x1024xf32, #tpu.memory_space<hbm>> -> memref<16x1024xf32, #tpu.memory_space<hbm>>
      tpu.enqueue_dma source(%arg7 : memref<16x1024xf32, #tpu.memory_space<vmem>>) target(%dma_start3A_201 : memref<16x1024xf32, #tpu.memory_space<hbm>>) target_semaphore(%arg15 : memref<!tpu.dma_semaphore, #tpu.memory_space<semaphore_mem>>)
      %mul3A_202 = arith.constant 4 : i32
      %mul3A_203 = arith.muli %add3A_169, %mul3A_202 : i32
      %add3A_204 = arith.constant 1 : i32
      %add3A_205 = arith.addi %mul3A_203, %add3A_204 : i32
      %dma_wait3A_206 = arith.constant 0 : i32
      %dma_wait3A_207 = tpu.memref_slice %arg4[%select_n3A, %mul3A_32, %dma_wait3A_206] : memref<4x4096x1024xf32, #tpu.memory_space<hbm>> -> memref<1x16x1024xf32, #tpu.memory_space<hbm>>
      %dma_wait3A_208 = tpu.memref_squeeze %dma_wait3A_207 : memref<1x16x1024xf32, #tpu.memory_space<hbm>> -> memref<16x1024xf32, #tpu.memory_space<hbm>>
      %dma_wait3A_209 = arith.constant 0 : i32
      %dma_wait3A_210 = tpu.memref_slice %arg4[%select_n3A, %mul3A_32, %dma_wait3A_209] : memref<4x4096x1024xf32, #tpu.memory_space<hbm>> -> memref<1x16x1024xf32, #tpu.memory_space<hbm>>
      %dma_wait3A_211 = tpu.memref_squeeze %dma_wait3A_210 : memref<1x16x1024xf32, #tpu.memory_space<hbm>> -> memref<16x1024xf32, #tpu.memory_space<hbm>>
      tpu.wait_dma2 semaphore(%arg15 : memref<!tpu.dma_semaphore, #tpu.memory_space<semaphore_mem>>) src(%arg7 : memref<16x1024xf32, #tpu.memory_space<vmem>>) dst(%dma_wait3A_211 : memref<16x1024xf32, #tpu.memory_space<hbm>>)
      %mul3A_212 = arith.constant 16 : i32
      %mul3A_213 = arith.muli %add3A_205, %mul3A_212 : i32
      %dma_start3A_214 = tpu.memref_slice %arg5[%mul3A_213] : memref<512xi32, #tpu.memory_space<vmem>> -> memref<16xi32, #tpu.memory_space<vmem>>
      %dma_start3A_215 = arith.constant 0 : i32
      %dma_start3A_216 = arith.constant 0 : i32
      %dma_start3A_217 = tpu.memref_slice %arg2[%dma_start3A_215, %dma_start3A_216] : memref<151936x1024xf32, #tpu.memory_space<hbm>> -> memref<151936x1024xf32, #tpu.memory_space<hbm>>
      tpu.enqueue_indirect_dma source(%dma_start3A_217 : memref<151936x1024xf32, #tpu.memory_space<hbm>>) target(%arg7 : memref<16x1024xf32, #tpu.memory_space<vmem>>) offsets(%dma_start3A_214 : memref<16xi32, #tpu.memory_space<vmem>>) semaphore(%arg11 : memref<!tpu.dma_semaphore, #tpu.memory_space<semaphore_mem>>)
      %dma_wait3A_218 = arith.constant 0 : i32
      %dma_wait3A_219 = tpu.memref_slice %arg5[%dma_wait3A_218] : memref<512xi32, #tpu.memory_space<vmem>> -> memref<16xi32, #tpu.memory_space<vmem>>
      %dma_wait3A_220 = arith.constant 0 : i32
      %dma_wait3A_221 = arith.constant 0 : i32
      %dma_wait3A_222 = tpu.memref_slice %arg2[%dma_wait3A_220, %dma_wait3A_221] : memref<151936x1024xf32, #tpu.memory_space<hbm>> -> memref<151936x1024xf32, #tpu.memory_space<hbm>>
      tpu.wait_indirect_dma semaphore(%arg12 : memref<!tpu.dma_semaphore, #tpu.memory_space<semaphore_mem>>) src(%dma_wait3A_222 : memref<151936x1024xf32, #tpu.memory_space<hbm>>) dst(%arg8 : memref<16x1024xf32, #tpu.memory_space<vmem>>)
      %sub3A_223 = arith.constant 3 : i32
      %sub3A_224 = arith.subi %add3A_205, %sub3A_223 : i32
      %mul3A_225 = arith.constant 16 : i32
      %mul3A_226 = arith.muli %sub3A_224, %mul3A_225 : i32
      %add3A_227 = arith.addi %mul3A_32, %mul3A_226 : i32
      %dma_start3A_228 = arith.constant 0 : i32
      %dma_start3A_229 = tpu.memref_slice %arg4[%select_n3A, %add3A_227, %dma_start3A_228] : memref<4x4096x1024xf32, #tpu.memory_space<hbm>> -> memref<1x16x1024xf32, #tpu.memory_space<hbm>>
      %dma_start3A_230 = tpu.memref_squeeze %dma_start3A_229 : memref<1x16x1024xf32, #tpu.memory_space<hbm>> -> memref<16x1024xf32, #tpu.memory_space<hbm>>
      %dma_start3A_231 = arith.constant 0 : i32
      %dma_start3A_232 = tpu.memref_slice %arg4[%select_n3A, %add3A_227, %dma_start3A_231] : memref<4x4096x1024xf32, #tpu.memory_space<hbm>> -> memref<1x16x1024xf32, #tpu.memory_space<hbm>>
      %dma_start3A_233 = tpu.memref_squeeze %dma_start3A_232 : memref<1x16x1024xf32, #tpu.memory_space<hbm>> -> memref<16x1024xf32, #tpu.memory_space<hbm>>
      tpu.enqueue_dma source(%arg8 : memref<16x1024xf32, #tpu.memory_space<vmem>>) target(%dma_start3A_233 : memref<16x1024xf32, #tpu.memory_space<hbm>>) target_semaphore(%arg16 : memref<!tpu.dma_semaphore, #tpu.memory_space<semaphore_mem>>)
      %mul3A_234 = arith.constant 4 : i32
      %mul3A_235 = arith.muli %add3A_169, %mul3A_234 : i32
      %add3A_236 = arith.constant 2 : i32
      %add3A_237 = arith.addi %mul3A_235, %add3A_236 : i32
      %dma_wait3A_238 = arith.constant 0 : i32
      %dma_wait3A_239 = tpu.memref_slice %arg4[%select_n3A, %mul3A_32, %dma_wait3A_238] : memref<4x4096x1024xf32, #tpu.memory_space<hbm>> -> memref<1x16x1024xf32, #tpu.memory_space<hbm>>
      %dma_wait3A_240 = tpu.memref_squeeze %dma_wait3A_239 : memref<1x16x1024xf32, #tpu.memory_space<hbm>> -> memref<16x1024xf32, #tpu.memory_space<hbm>>
      %dma_wait3A_241 = arith.constant 0 : i32
      %dma_wait3A_242 = tpu.memref_slice %arg4[%select_n3A, %mul3A_32, %dma_wait3A_241] : memref<4x4096x1024xf32, #tpu.memory_space<hbm>> -> memref<1x16x1024xf32, #tpu.memory_space<hbm>>
      %dma_wait3A_243 = tpu.memref_squeeze %dma_wait3A_242 : memref<1x16x1024xf32, #tpu.memory_space<hbm>> -> memref<16x1024xf32, #tpu.memory_space<hbm>>
      tpu.wait_dma2 semaphore(%arg16 : memref<!tpu.dma_semaphore, #tpu.memory_space<semaphore_mem>>) src(%arg8 : memref<16x1024xf32, #tpu.memory_space<vmem>>) dst(%dma_wait3A_243 : memref<16x1024xf32, #tpu.memory_space<hbm>>)
      %mul3A_244 = arith.constant 16 : i32
      %mul3A_245 = arith.muli %add3A_237, %mul3A_244 : i32
      %dma_start3A_246 = tpu.memref_slice %arg5[%mul3A_245] : memref<512xi32, #tpu.memory_space<vmem>> -> memref<16xi32, #tpu.memory_space<vmem>>
      %dma_start3A_247 = arith.constant 0 : i32
      %dma_start3A_248 = arith.constant 0 : i32
      %dma_start3A_249 = tpu.memref_slice %arg2[%dma_start3A_247, %dma_start3A_248] : memref<151936x1024xf32, #tpu.memory_space<hbm>> -> memref<151936x1024xf32, #tpu.memory_space<hbm>>
      tpu.enqueue_indirect_dma source(%dma_start3A_249 : memref<151936x1024xf32, #tpu.memory_space<hbm>>) target(%arg8 : memref<16x1024xf32, #tpu.memory_space<vmem>>) offsets(%dma_start3A_246 : memref<16xi32, #tpu.memory_space<vmem>>) semaphore(%arg12 : memref<!tpu.dma_semaphore, #tpu.memory_space<semaphore_mem>>)
      %dma_wait3A_250 = arith.constant 0 : i32
      %dma_wait3A_251 = tpu.memref_slice %arg5[%dma_wait3A_250] : memref<512xi32, #tpu.memory_space<vmem>> -> memref<16xi32, #tpu.memory_space<vmem>>
      %dma_wait3A_252 = arith.constant 0 : i32
      %dma_wait3A_253 = arith.constant 0 : i32
      %dma_wait3A_254 = tpu.memref_slice %arg2[%dma_wait3A_252, %dma_wait3A_253] : memref<151936x1024xf32, #tpu.memory_space<hbm>> -> memref<151936x1024xf32, #tpu.memory_space<hbm>>
      tpu.wait_indirect_dma semaphore(%arg13 : memref<!tpu.dma_semaphore, #tpu.memory_space<semaphore_mem>>) src(%dma_wait3A_254 : memref<151936x1024xf32, #tpu.memory_space<hbm>>) dst(%arg9 : memref<16x1024xf32, #tpu.memory_space<vmem>>)
      %sub3A_255 = arith.constant 3 : i32
      %sub3A_256 = arith.subi %add3A_237, %sub3A_255 : i32
      %mul3A_257 = arith.constant 16 : i32
      %mul3A_258 = arith.muli %sub3A_256, %mul3A_257 : i32
      %add3A_259 = arith.addi %mul3A_32, %mul3A_258 : i32
      %dma_start3A_260 = arith.constant 0 : i32
      %dma_start3A_261 = tpu.memref_slice %arg4[%select_n3A, %add3A_259, %dma_start3A_260] : memref<4x4096x1024xf32, #tpu.memory_space<hbm>> -> memref<1x16x1024xf32, #tpu.memory_space<hbm>>
      %dma_start3A_262 = tpu.memref_squeeze %dma_start3A_261 : memref<1x16x1024xf32, #tpu.memory_space<hbm>> -> memref<16x1024xf32, #tpu.memory_space<hbm>>
      %dma_start3A_263 = arith.constant 0 : i32
      %dma_start3A_264 = tpu.memref_slice %arg4[%select_n3A, %add3A_259, %dma_start3A_263] : memref<4x4096x1024xf32, #tpu.memory_space<hbm>> -> memref<1x16x1024xf32, #tpu.memory_space<hbm>>
      %dma_start3A_265 = tpu.memref_squeeze %dma_start3A_264 : memref<1x16x1024xf32, #tpu.memory_space<hbm>> -> memref<16x1024xf32, #tpu.memory_space<hbm>>
      tpu.enqueue_dma source(%arg9 : memref<16x1024xf32, #tpu.memory_space<vmem>>) target(%dma_start3A_265 : memref<16x1024xf32, #tpu.memory_space<hbm>>) target_semaphore(%arg17 : memref<!tpu.dma_semaphore, #tpu.memory_space<semaphore_mem>>)
      %mul3A_266 = arith.constant 4 : i32
      %mul3A_267 = arith.muli %add3A_169, %mul3A_266 : i32
      %add3A_268 = arith.constant 3 : i32
      %add3A_269 = arith.addi %mul3A_267, %add3A_268 : i32
      %dma_wait3A_270 = arith.constant 0 : i32
      %dma_wait3A_271 = tpu.memref_slice %arg4[%select_n3A, %mul3A_32, %dma_wait3A_270] : memref<4x4096x1024xf32, #tpu.memory_space<hbm>> -> memref<1x16x1024xf32, #tpu.memory_space<hbm>>
      %dma_wait3A_272 = tpu.memref_squeeze %dma_wait3A_271 : memref<1x16x1024xf32, #tpu.memory_space<hbm>> -> memref<16x1024xf32, #tpu.memory_space<hbm>>
      %dma_wait3A_273 = arith.constant 0 : i32
      %dma_wait3A_274 = tpu.memref_slice %arg4[%select_n3A, %mul3A_32, %dma_wait3A_273] : memref<4x4096x1024xf32, #tpu.memory_space<hbm>> -> memref<1x16x1024xf32, #tpu.memory_space<hbm>>
      %dma_wait3A_275 = tpu.memref_squeeze %dma_wait3A_274 : memref<1x16x1024xf32, #tpu.memory_space<hbm>> -> memref<16x1024xf32, #tpu.memory_space<hbm>>
      tpu.wait_dma2 semaphore(%arg17 : memref<!tpu.dma_semaphore, #tpu.memory_space<semaphore_mem>>) src(%arg9 : memref<16x1024xf32, #tpu.memory_space<vmem>>) dst(%dma_wait3A_275 : memref<16x1024xf32, #tpu.memory_space<hbm>>)
      %mul3A_276 = arith.constant 16 : i32
      %mul3A_277 = arith.muli %add3A_269, %mul3A_276 : i32
      %dma_start3A_278 = tpu.memref_slice %arg5[%mul3A_277] : memref<512xi32, #tpu.memory_space<vmem>> -> memref<16xi32, #tpu.memory_space<vmem>>
      %dma_start3A_279 = arith.constant 0 : i32
      %dma_start3A_280 = arith.constant 0 : i32
      %dma_start3A_281 = tpu.memref_slice %arg2[%dma_start3A_279, %dma_start3A_280] : memref<151936x1024xf32, #tpu.memory_space<hbm>> -> memref<151936x1024xf32, #tpu.memory_space<hbm>>
      tpu.enqueue_indirect_dma source(%dma_start3A_281 : memref<151936x1024xf32, #tpu.memory_space<hbm>>) target(%arg9 : memref<16x1024xf32, #tpu.memory_space<vmem>>) offsets(%dma_start3A_278 : memref<16xi32, #tpu.memory_space<vmem>>) semaphore(%arg13 : memref<!tpu.dma_semaphore, #tpu.memory_space<semaphore_mem>>)
      %dma_wait3A_282 = arith.constant 0 : i32
      %dma_wait3A_283 = tpu.memref_slice %arg5[%dma_wait3A_282] : memref<512xi32, #tpu.memory_space<vmem>> -> memref<16xi32, #tpu.memory_space<vmem>>
      %dma_wait3A_284 = arith.constant 0 : i32
      %dma_wait3A_285 = arith.constant 0 : i32
      %dma_wait3A_286 = tpu.memref_slice %arg2[%dma_wait3A_284, %dma_wait3A_285] : memref<151936x1024xf32, #tpu.memory_space<hbm>> -> memref<151936x1024xf32, #tpu.memory_space<hbm>>
      tpu.wait_indirect_dma semaphore(%arg10 : memref<!tpu.dma_semaphore, #tpu.memory_space<semaphore_mem>>) src(%dma_wait3A_286 : memref<151936x1024xf32, #tpu.memory_space<hbm>>) dst(%arg6 : memref<16x1024xf32, #tpu.memory_space<vmem>>)
      %sub3A_287 = arith.constant 3 : i32
      %sub3A_288 = arith.subi %add3A_269, %sub3A_287 : i32
      %mul3A_289 = arith.constant 16 : i32
      %mul3A_290 = arith.muli %sub3A_288, %mul3A_289 : i32
      %add3A_291 = arith.addi %mul3A_32, %mul3A_290 : i32
      %dma_start3A_292 = arith.constant 0 : i32
      %dma_start3A_293 = tpu.memref_slice %arg4[%select_n3A, %add3A_291, %dma_start3A_292] : memref<4x4096x1024xf32, #tpu.memory_space<hbm>> -> memref<1x16x1024xf32, #tpu.memory_space<hbm>>
      %dma_start3A_294 = tpu.memref_squeeze %dma_start3A_293 : memref<1x16x1024xf32, #tpu.memory_space<hbm>> -> memref<16x1024xf32, #tpu.memory_space<hbm>>
      %dma_start3A_295 = arith.constant 0 : i32
      %dma_start3A_296 = tpu.memref_slice %arg4[%select_n3A, %add3A_291, %dma_start3A_295] : memref<4x4096x1024xf32, #tpu.memory_space<hbm>> -> memref<1x16x1024xf32, #tpu.memory_space<hbm>>
      %dma_start3A_297 = tpu.memref_squeeze %dma_start3A_296 : memref<1x16x1024xf32, #tpu.memory_space<hbm>> -> memref<16x1024xf32, #tpu.memory_space<hbm>>
      tpu.enqueue_dma source(%arg6 : memref<16x1024xf32, #tpu.memory_space<vmem>>) target(%dma_start3A_297 : memref<16x1024xf32, #tpu.memory_space<hbm>>) target_semaphore(%arg14 : memref<!tpu.dma_semaphore, #tpu.memory_space<semaphore_mem>>)
    }
    %scan3A_101 = arith.constant 7 : i32
    %dma_wait3A_102 = arith.constant 0 : i32
    %dma_wait3A_103 = tpu.memref_slice %arg5[%dma_wait3A_102] : memref<512xi32, #tpu.memory_space<vmem>> -> memref<16xi32, #tpu.memory_space<vmem>>
    %dma_wait3A_104 = arith.constant 0 : i32
    %dma_wait3A_105 = arith.constant 0 : i32
    %dma_wait3A_106 = tpu.memref_slice %arg2[%dma_wait3A_104, %dma_wait3A_105] : memref<151936x1024xf32, #tpu.memory_space<hbm>> -> memref<151936x1024xf32, #tpu.memory_space<hbm>>
    tpu.wait_indirect_dma semaphore(%arg11 : memref<!tpu.dma_semaphore, #tpu.memory_space<semaphore_mem>>) src(%dma_wait3A_106 : memref<151936x1024xf32, #tpu.memory_space<hbm>>) dst(%arg7 : memref<16x1024xf32, #tpu.memory_space<vmem>>)
    %add3A_107 = arith.constant 464 : i32
    %add3A_108 = arith.addi %mul3A_32, %add3A_107 : i32
    %dma_start3A_109 = arith.constant 0 : i32
    %dma_start3A_110 = tpu.memref_slice %arg4[%select_n3A, %add3A_108, %dma_start3A_109] : memref<4x4096x1024xf32, #tpu.memory_space<hbm>> -> memref<1x16x1024xf32, #tpu.memory_space<hbm>>
    %dma_start3A_111 = tpu.memref_squeeze %dma_start3A_110 : memref<1x16x1024xf32, #tpu.memory_space<hbm>> -> memref<16x1024xf32, #tpu.memory_space<hbm>>
    %dma_start3A_112 = arith.constant 0 : i32
    %dma_start3A_113 = tpu.memref_slice %arg4[%select_n3A, %add3A_108, %dma_start3A_112] : memref<4x4096x1024xf32, #tpu.memory_space<hbm>> -> memref<1x16x1024xf32, #tpu.memory_space<hbm>>
    %dma_start3A_114 = tpu.memref_squeeze %dma_start3A_113 : memref<1x16x1024xf32, #tpu.memory_space<hbm>> -> memref<16x1024xf32, #tpu.memory_space<hbm>>
    tpu.enqueue_dma source(%arg7 : memref<16x1024xf32, #tpu.memory_space<vmem>>) target(%dma_start3A_114 : memref<16x1024xf32, #tpu.memory_space<hbm>>) target_semaphore(%arg15 : memref<!tpu.dma_semaphore, #tpu.memory_space<semaphore_mem>>)
    %dma_wait3A_115 = arith.constant 0 : i32
    %dma_wait3A_116 = tpu.memref_slice %arg5[%dma_wait3A_115] : memref<512xi32, #tpu.memory_space<vmem>> -> memref<16xi32, #tpu.memory_space<vmem>>
    %dma_wait3A_117 = arith.constant 0 : i32
    %dma_wait3A_118 = arith.constant 0 : i32
    %dma_wait3A_119 = tpu.memref_slice %arg2[%dma_wait3A_117, %dma_wait3A_118] : memref<151936x1024xf32, #tpu.memory_space<hbm>> -> memref<151936x1024xf32, #tpu.memory_space<hbm>>
    tpu.wait_indirect_dma semaphore(%arg12 : memref<!tpu.dma_semaphore, #tpu.memory_space<semaphore_mem>>) src(%dma_wait3A_119 : memref<151936x1024xf32, #tpu.memory_space<hbm>>) dst(%arg8 : memref<16x1024xf32, #tpu.memory_space<vmem>>)
    %add3A_120 = arith.constant 480 : i32
    %add3A_121 = arith.addi %mul3A_32, %add3A_120 : i32
    %dma_start3A_122 = arith.constant 0 : i32
    %dma_start3A_123 = tpu.memref_slice %arg4[%select_n3A, %add3A_121, %dma_start3A_122] : memref<4x4096x1024xf32, #tpu.memory_space<hbm>> -> memref<1x16x1024xf32, #tpu.memory_space<hbm>>
    %dma_start3A_124 = tpu.memref_squeeze %dma_start3A_123 : memref<1x16x1024xf32, #tpu.memory_space<hbm>> -> memref<16x1024xf32, #tpu.memory_space<hbm>>
    %dma_start3A_125 = arith.constant 0 : i32
    %dma_start3A_126 = tpu.memref_slice %arg4[%select_n3A, %add3A_121, %dma_start3A_125] : memref<4x4096x1024xf32, #tpu.memory_space<hbm>> -> memref<1x16x1024xf32, #tpu.memory_space<hbm>>
    %dma_start3A_127 = tpu.memref_squeeze %dma_start3A_126 : memref<1x16x1024xf32, #tpu.memory_space<hbm>> -> memref<16x1024xf32, #tpu.memory_space<hbm>>
    tpu.enqueue_dma source(%arg8 : memref<16x1024xf32, #tpu.memory_space<vmem>>) target(%dma_start3A_127 : memref<16x1024xf32, #tpu.memory_space<hbm>>) target_semaphore(%arg16 : memref<!tpu.dma_semaphore, #tpu.memory_space<semaphore_mem>>)
    %dma_wait3A_128 = arith.constant 0 : i32
    %dma_wait3A_129 = tpu.memref_slice %arg5[%dma_wait3A_128] : memref<512xi32, #tpu.memory_space<vmem>> -> memref<16xi32, #tpu.memory_space<vmem>>
    %dma_wait3A_130 = arith.constant 0 : i32
    %dma_wait3A_131 = arith.constant 0 : i32
    %dma_wait3A_132 = tpu.memref_slice %arg2[%dma_wait3A_130, %dma_wait3A_131] : memref<151936x1024xf32, #tpu.memory_space<hbm>> -> memref<151936x1024xf32, #tpu.memory_space<hbm>>
    tpu.wait_indirect_dma semaphore(%arg13 : memref<!tpu.dma_semaphore, #tpu.memory_space<semaphore_mem>>) src(%dma_wait3A_132 : memref<151936x1024xf32, #tpu.memory_space<hbm>>) dst(%arg9 : memref<16x1024xf32, #tpu.memory_space<vmem>>)
    %add3A_133 = arith.constant 496 : i32
    %add3A_134 = arith.addi %mul3A_32, %add3A_133 : i32
    %dma_start3A_135 = arith.constant 0 : i32
    %dma_start3A_136 = tpu.memref_slice %arg4[%select_n3A, %add3A_134, %dma_start3A_135] : memref<4x4096x1024xf32, #tpu.memory_space<hbm>> -> memref<1x16x1024xf32, #tpu.memory_space<hbm>>
    %dma_start3A_137 = tpu.memref_squeeze %dma_start3A_136 : memref<1x16x1024xf32, #tpu.memory_space<hbm>> -> memref<16x1024xf32, #tpu.memory_space<hbm>>
    %dma_start3A_138 = arith.constant 0 : i32
    %dma_start3A_139 = tpu.memref_slice %arg4[%select_n3A, %add3A_134, %dma_start3A_138] : memref<4x4096x1024xf32, #tpu.memory_space<hbm>> -> memref<1x16x1024xf32, #tpu.memory_space<hbm>>
    %dma_start3A_140 = tpu.memref_squeeze %dma_start3A_139 : memref<1x16x1024xf32, #tpu.memory_space<hbm>> -> memref<16x1024xf32, #tpu.memory_space<hbm>>
    tpu.enqueue_dma source(%arg9 : memref<16x1024xf32, #tpu.memory_space<vmem>>) target(%dma_start3A_140 : memref<16x1024xf32, #tpu.memory_space<hbm>>) target_semaphore(%arg17 : memref<!tpu.dma_semaphore, #tpu.memory_space<semaphore_mem>>)
    %dma_wait3A_141 = arith.constant 0 : i32
    %dma_wait3A_142 = tpu.memref_slice %arg4[%select_n3A, %mul3A_32, %dma_wait3A_141] : memref<4x4096x1024xf32, #tpu.memory_space<hbm>> -> memref<1x16x1024xf32, #tpu.memory_space<hbm>>
    %dma_wait3A_143 = tpu.memref_squeeze %dma_wait3A_142 : memref<1x16x1024xf32, #tpu.memory_space<hbm>> -> memref<16x1024xf32, #tpu.memory_space<hbm>>
    %dma_wait3A_144 = arith.constant 0 : i32
    %dma_wait3A_145 = tpu.memref_slice %arg4[%select_n3A, %mul3A_32, %dma_wait3A_144] : memref<4x4096x1024xf32, #tpu.memory_space<hbm>> -> memref<1x16x1024xf32, #tpu.memory_space<hbm>>
    %dma_wait3A_146 = tpu.memref_squeeze %dma_wait3A_145 : memref<1x16x1024xf32, #tpu.memory_space<hbm>> -> memref<16x1024xf32, #tpu.memory_space<hbm>>
    tpu.wait_dma2 semaphore(%arg14 : memref<!tpu.dma_semaphore, #tpu.memory_space<semaphore_mem>>) src(%arg6 : memref<16x1024xf32, #tpu.memory_space<vmem>>) dst(%dma_wait3A_146 : memref<16x1024xf32, #tpu.memory_space<hbm>>)
    %dma_wait3A_147 = arith.constant 0 : i32
    %dma_wait3A_148 = tpu.memref_slice %arg4[%select_n3A, %mul3A_32, %dma_wait3A_147] : memref<4x4096x1024xf32, #tpu.memory_space<hbm>> -> memref<1x16x1024xf32, #tpu.memory_space<hbm>>
    %dma_wait3A_149 = tpu.memref_squeeze %dma_wait3A_148 : memref<1x16x1024xf32, #tpu.memory_space<hbm>> -> memref<16x1024xf32, #tpu.memory_space<hbm>>
    %dma_wait3A_150 = arith.constant 0 : i32
    %dma_wait3A_151 = tpu.memref_slice %arg4[%select_n3A, %mul3A_32, %dma_wait3A_150] : memref<4x4096x1024xf32, #tpu.memory_space<hbm>> -> memref<1x16x1024xf32, #tpu.memory_space<hbm>>
    %dma_wait3A_152 = tpu.memref_squeeze %dma_wait3A_151 : memref<1x16x1024xf32, #tpu.memory_space<hbm>> -> memref<16x1024xf32, #tpu.memory_space<hbm>>
    tpu.wait_dma2 semaphore(%arg15 : memref<!tpu.dma_semaphore, #tpu.memory_space<semaphore_mem>>) src(%arg7 : memref<16x1024xf32, #tpu.memory_space<vmem>>) dst(%dma_wait3A_152 : memref<16x1024xf32, #tpu.memory_space<hbm>>)
    %dma_wait3A_153 = arith.constant 0 : i32
    %dma_wait3A_154 = tpu.memref_slice %arg4[%select_n3A, %mul3A_32, %dma_wait3A_153] : memref<4x4096x1024xf32, #tpu.memory_space<hbm>> -> memref<1x16x1024xf32, #tpu.memory_space<hbm>>
    %dma_wait3A_155 = tpu.memref_squeeze %dma_wait3A_154 : memref<1x16x1024xf32, #tpu.memory_space<hbm>> -> memref<16x1024xf32, #tpu.memory_space<hbm>>
    %dma_wait3A_156 = arith.constant 0 : i32
    %dma_wait3A_157 = tpu.memref_slice %arg4[%select_n3A, %mul3A_32, %dma_wait3A_156] : memref<4x4096x1024xf32, #tpu.memory_space<hbm>> -> memref<1x16x1024xf32, #tpu.memory_space<hbm>>
    %dma_wait3A_158 = tpu.memref_squeeze %dma_wait3A_157 : memref<1x16x1024xf32, #tpu.memory_space<hbm>> -> memref<16x1024xf32, #tpu.memory_space<hbm>>
    tpu.wait_dma2 semaphore(%arg16 : memref<!tpu.dma_semaphore, #tpu.memory_space<semaphore_mem>>) src(%arg8 : memref<16x1024xf32, #tpu.memory_space<vmem>>) dst(%dma_wait3A_158 : memref<16x1024xf32, #tpu.memory_space<hbm>>)
    %dma_wait3A_159 = arith.constant 0 : i32
    %dma_wait3A_160 = tpu.memref_slice %arg4[%select_n3A, %mul3A_32, %dma_wait3A_159] : memref<4x4096x1024xf32, #tpu.memory_space<hbm>> -> memref<1x16x1024xf32, #tpu.memory_space<hbm>>
    %dma_wait3A_161 = tpu.memref_squeeze %dma_wait3A_160 : memref<1x16x1024xf32, #tpu.memory_space<hbm>> -> memref<16x1024xf32, #tpu.memory_space<hbm>>
    %dma_wait3A_162 = arith.constant 0 : i32
    %dma_wait3A_163 = tpu.memref_slice %arg4[%select_n3A, %mul3A_32, %dma_wait3A_162] : memref<4x4096x1024xf32, #tpu.memory_space<hbm>> -> memref<1x16x1024xf32, #tpu.memory_space<hbm>>
    %dma_wait3A_164 = tpu.memref_squeeze %dma_wait3A_163 : memref<1x16x1024xf32, #tpu.memory_space<hbm>> -> memref<16x1024xf32, #tpu.memory_space<hbm>>
    tpu.wait_dma2 semaphore(%arg17 : memref<!tpu.dma_semaphore, #tpu.memory_space<semaphore_mem>>) src(%arg9 : memref<16x1024xf32, #tpu.memory_space<vmem>>) dst(%dma_wait3A_164 : memref<16x1024xf32, #tpu.memory_space<hbm>>)
    return
  }
}

</mosaic_0001>

<sc_bundles>
// kernel: kernel.3.cloned.1.call-start
scs
__scs_entry_jumppad:
0x0: {  	(pc) =	sbr.rel $0x88, $3  }
0x1: {  	(tag) =	ssettag $0x0;
	lr =	simm.s32 $0x1  }
0x2: {  	[smem:$0x3F9F] =	sst lr;
	_ =	strace $0xD0000000  }
0x3: {  	_ = 	snop  }
0x4: {  	_ = 	snop  }
0x5: {  	_ = 	snop  }
0x6: {  	_ = 	snop  }
0x7: {  	_ = 	snop  }
__scs_overlays_trampoline_lowered:
0x8: {  	[smem:$0x3FAE] =	sst s0  }
0x9: {  	[smem:$0x3FAF] =	sst s1  }
0xa: {  	[smem:$0x3FB0] =	sst s2  }
0xb: {  	[smem:$0x3FB1] =	sst s3  }
0xc: {  	[smem:$0x3FB2] =	sst s4  }
0xd: {  	[smem:$0x3FB3] =	sst s5  }
0xe: {  	[smem:$0x3FB4] =	sst s6  }
0xf: {  	[smem:$0x3FB5] =	sst s7  }
0x10: {  	[smem:$0x3FB6] =	sst s8  }
0x11: {  	[smem:$0x3FB7] =	sst s9;
	s0 =	simm.s32 @!p0 $0x0  }
0x12: {  	s1 =	sld [smem:$0x3F9D];
	s0 =	simm.s32 @p0 $0x1  }
0x13: {  	[smem:$0x3FB8] =	sst s0;
	s0 =	simm.s32 @!p1 $0x0  }
0x14: {  	s2 =	sld [smem:$0x3F9C];
	s0 =	simm.s32 @p1 $0x1  }
0x15: {  	[smem:$0x3FB9] =	sst s0;
	s0 =	simm.s32 @!p2 $0x0  }
0x16: {  	s3 =	sld [smem:$0x3FDB];
	s0 =	simm.s32 @p2 $0x1  }
0x17: {  	s4 =	simm.s32 $0x1BF5;
	[smem:$0x3FBB] =	sst s0  }
0x18: {  	s0 =	sld [smem:$0x3F9E];
	_ =	swait.ge [sflag:s4], $0x0  }
0x19: {  	s7 =	sld [smem:$0x3F9F]  }
0x1a: {  	s8 =	sadd.s32 $0xFFFFE003, lr  }
0x1b: {  	s9 =	sadd.s32 $0xFFFFFEF7, lr;
	s5 =	simm.s32 $0xFFFFFFFF;
	p2 =	slt.u32 s8, $0xFFFFF086  }
0x1c: {  	p1 =	slt.u32 s9, $0xF7A;
	s5 =	simm.s32 @!p2 $0x0  }
0x1d: {  	s5 =	simm.s32 @p1 $0x1;
	p0 =	seq.s32 s7, s2  }
0x1e: {  	s7 =	smul.u32 @!p0 $0xF7A, s2;
	p2 =	seq.s32 @!p0 s5, $0x0  }
0x1f: {  	s9 =	smul.u32 $0xF7A, s1;
	s8 =	simm.s32 @!p0 $0x1BF5;
	p2 =	por !p2, p0  }
0x20: {  	[sflag:s8] =	ssyncset.s32 @!p0 $0xFFFFF086;
	s6 =	sadd.s32 @!p0 s3, s7;
	s7 =	simm.s32 @!p0 $0x108  }
0x21: {  	s3 =	sadd.s32 s3, s9;
	s6 =	sadd.s32 @!p0 $0x88, s6;
	s7 =	simm.s32 @p2 $0x1082  }
0x22: {  	[simem:s7], [sflag:s8] =	dma.local @!p0 [hbm:s6], $0xF7A  }
0x23: {  	s9 =	sor.u32 $0xD0000000, s2;
	s6 =	simm.s32 $0x108;
	_ =	swait.ge @!p0 [sflag:s8], $0x0  }
0x24: {  	s3 =	sadd.s32 $0x88, s3;
	s6 =	simm.s32 @!p1 $0x1082;
	[sflag:s4] =	ssyncset.s32 $0xFFFFF086  }
0x25: {  	[simem:s6], [sflag:s4] =	dma.local [hbm:s3], $0xF7A  }
0x26: {  	[smem:$0x3F9F] =	sst s1;
	(tag) =	ssettag s2;
	_ =	strace s9  }
0x27: {  	s1 =	sld [smem:$0x3FAF]  }
0x28: {  	s2 =	sld [smem:$0x3FB0]  }
0x29: {  	s4 =	sld [smem:$0x3FB2]  }
0x2a: {  	p0 =	seq.s32 s5, $0x0;
	s5 =	sld [smem:$0x3FB3]  }
0x2b: {  	s6 =	sld [smem:$0x3FB4]  }
0x2c: {  	s7 =	sld [smem:$0x3FB5]  }
0x2d: {  	s3 =	simm.s32 $0x108;
	s8 =	sld [smem:$0x3FB6]  }
0x2e: {  	s3 =	simm.s32 @!p0 $0x1082;
	s9 =	sld [smem:$0x3FB7]  }
0x2f: {  	lr =	sadd.s32 s0, s3;
	s0 =	sld [smem:$0x3FAE]  }
0x30: {  	s3 =	sld [smem:$0x3FB1]  }
0x31: {  	[smem:$0x3FBA] =	sst s10  }
0x32: {  	s10 =	sld [smem:$0x3FB8];
	_ =	sdelay $0x3  }
0x33: {  	p0 =	seq.s32 s10, $0x1;
	s10 =	sld [smem:$0x3FBA];
	_ =	sdelay $0x3  }
0x34: {  	[smem:$0x3FBA] =	sst s10  }
0x35: {  	s10 =	sld [smem:$0x3FB9];
	_ =	sdelay $0x3  }
0x36: {  	p1 =	seq.s32 s10, $0x1;
	s10 =	sld [smem:$0x3FBA];
	_ =	sdelay $0x3  }
0x37: {  	[smem:$0x3FBA] =	sst s10  }
0x38: {  	s10 =	sld [smem:$0x3FBB]  }
0x39: {  	_ = 	snop;
	(pc) =	sbr.ind lr, $3  }
0x3a: {  	_ = 	snop  }
0x3b: {  	_ = 	snop  }
0x3c: {  	p2 =	seq.s32 s10, $0x1;
	s10 =	sld [smem:$0x3FBA]  }
0x3d: {  	_ =	shalt  }
0x3e: {  	_ =	shalt  }
0x3f: {  	_ =	shalt  }
0x40: {  	_ =	shalt  }
0x41: {  	_ =	shalt  }
0x42: {  	_ =	shalt  }
0x43: {  	_ =	shalt  }
0x44: {  	_ =	shalt  }
0x45: {  	_ =	shalt  }
0x46: {  	_ =	shalt  }
0x47: {  	_ =	shalt  }
0x48: {  	_ =	shalt  }
0x49: {  	_ =	shalt  }
0x4a: {  	_ =	shalt  }
0x4b: {  	_ =	shalt  }
0x4c: {  	_ =	shalt  }
0x4d: {  	_ =	shalt  }
0x4e: {  	_ =	shalt  }
0x4f: {  	_ =	shalt  }
0x50: {  	_ =	shalt  }
0x51: {  	_ =	shalt  }
0x52: {  	_ =	shalt  }
0x53: {  	_ =	shalt  }
0x54: {  	_ =	shalt  }
0x55: {  	_ =	shalt  }
0x56: {  	_ =	shalt  }
0x57: {  	_ =	shalt  }
0x58: {  	_ =	shalt  }
0x59: {  	_ =	shalt  }
0x5a: {  	_ =	shalt  }
0x5b: {  	_ =	shalt  }
0x5c: {  	_ =	shalt  }
0x5d: {  	_ =	shalt  }
0x5e: {  	_ =	shalt  }
0x5f: {  	_ =	shalt  }
0x60: {  	_ =	shalt  }
0x61: {  	_ =	shalt  }
0x62: {  	_ =	shalt  }
0x63: {  	_ =	shalt  }
0x64: {  	_ =	shalt  }
0x65: {  	_ =	shalt  }
0x66: {  	_ =	shalt  }
0x67: {  	_ =	shalt  }
0x68: {  	_ =	shalt  }
0x69: {  	_ =	shalt  }
0x6a: {  	_ =	shalt  }
0x6b: {  	_ =	shalt  }
0x6c: {  	_ =	shalt  }
0x6d: {  	_ =	shalt  }
0x6e: {  	_ =	shalt  }
0x6f: {  	_ =	shalt  }
0x70: {  	_ =	shalt  }
0x71: {  	_ =	shalt  }
0x72: {  	_ =	shalt  }
0x73: {  	_ =	shalt  }
0x74: {  	_ =	shalt  }
0x75: {  	_ =	shalt  }
0x76: {  	_ =	shalt  }
0x77: {  	_ =	shalt  }
0x78: {  	_ =	shalt  }
0x79: {  	_ =	shalt  }
0x7a: {  	_ =	shalt  }
0x7b: {  	_ =	shalt  }
0x7c: {  	_ =	shalt  }
0x7d: {  	_ =	shalt  }
0x7e: {  	_ =	shalt  }
0x7f: {  	_ =	shalt  }
0x80: {  	_ =	shalt  }
0x81: {  	_ =	shalt  }
0x82: {  	_ =	shalt  }
0x83: {  	_ =	shalt  }
0x84: {  	_ =	shalt  }
0x85: {  	_ =	shalt  }
0x86: {  	_ =	shalt  }
0x87: {  	_ =	shalt  }
.Lfunc_end0:
.L_simem_size_0:
called_computation_lowered:
.L_overlay_start_0:
0x88: {  	s2 =	sld [smem:$0x3FD9]  }
0x89: {  	s3 =	sld [smem:$0x3FFE];
	_ =	sdelay $0x1  }
0x8a: {  	s1 =	srdreg.scid  }
0x8b: {  	s0 =	sand.u32 $0x1, s1  }
0x8c: {  	s18 =	sshll.u32 s0, $0xA;
	s2 =	sadd.s32 s3, s2  }
0x8d: {  	s2 =	sadd.s32 s2, s18  }
0x8e: {  	[smem:$0x3FC6] =	sst s2  }
0x8f: {  	_ = 	snop  }
0x90: {  	s2 =	sld [smem:$0x3FC9]  }
0x91: {  	s19 =	sld [smem:$0x3FC8]  }
0x92: {  	s4 =	sld [smem:$0x3FD0];
	(tm) =	ssettm $0x1  }
0x93: {  	s5 =	sld [smem:$0x3FFB];
	_ =	sdelay $0x3  }
0x94: {  	_ =	strace s5  }
0x95: {  	s5 =	sld [smem:$0x3FFC];
	_ =	sdelay $0x3  }
0x96: {  	_ =	strace s5  }
0x97: {  	s5 =	sld [smem:$0x3FFD];
	_ =	sdelay $0x3  }
0x98: {  	_ =	strace s5  }
0x99: {  	_ =	strace $0x8FFFFFFF  }
0x9a: {  	s20 =	sld [smem:$0x3FDB];
	_ =	sdelay $0x1  }
0x9b: {  	s6 =	simm.s32 $_scs_section_size  }
0x9c: {  	s7 =	simm.s32 $_size__tile_overlayer_lowered;
	s8 =	simm.s32 $_tile_overlayer_lowered  }
0x9d: {  	s23 =	simm.s32 $0x1BFF;
	s22 =	sshll.u32 s8, $0x1;
	s5 =	sadd.s32 s6, s20  }
0x9e: {  	s9 =	simm.s32 $0x0;
	s21 =	sshll.u32 s7, $0x1;
	s7 =	sadd.s32 s22, s5  }
0x9f: {  	[timem:s9], [sflag:s23] =	dma.local [hbm:s7], s21  }
0xa0: {  	_ =	swait.ge [sflag:s23], s21  }
0xa1: {  	s6 =	ssub.s32 $0x0, s21;
	[sflag:s23] =	ssyncset.done $0x0  }
0xa2: {  	[sflag:s23] =	ssyncadd.s32 s6;
	_ =	sdelay $0x1  }
0xa3: {  	s24 =	simm.s32 $0x1B8B  }
0xa4: {  	_ =	swait.ge [sflag:s24], $0x1  }
0xa5: {  	[sflag:s24] =	ssyncset.done $0x0  }
0xa6: {  	s25 =	simm.s32 $0x1B8E;
	[sflag:s24] =	ssyncadd.s32 $0xFFFFFFFF  }
0xa7: {  	s26 =	simm.s32 $execute0_lowered;
	[smem:$0x3FD2] =	sst s25  }
0xa8: {  	s6 =	sshll.u32 s26, $0x1;
	_ =	strace $0x80000046;
	[dreg:$0x1] =	wrdreg $0xFFFFFFFF  }
0xa9: {  	s28 =	simm.s32 $_size_execute0_lowered;
	s5 =	sadd.s32 s5, s6;
	[dreg:$0x0] =	wrdreg $0x0  }
0xaa: {  	s6 =	sshll.u32 s28, $0x1;
	[dreg:$0x2] =	wrdreg s5  }
0xab: {  	[dreg:$0x3] =	wrdreg s6  }
0xac: {  	[dreg:$0x4] =	wrdreg $0xC0  }
0xad: {  	_ =	task [dreg:s9], $0x5FFFF  }
0xae: {  	[dreg:$0x1] =	wrdreg $0xFFFFFFFF  }
0xaf: {  	[dreg:$0x0] =	wrdreg $0x60  }
0xb0: {  	[dreg:$0x2] =	wrdreg s19  }
0xb1: {  	[dreg:$0x3] =	wrdreg s2  }
0xb2: {  	[dreg:$0x4] =	wrdreg s4  }
0xb3: {  	[dreg:$0x5] =	wrdreg $0x9  }
0xb4: {  	_ =	task.clear_ibuf [dreg:s9], $0x6FFFF;
	_ =	strace $0x90000046  }
0xb5: {  	s29 =	simm.s32 $0x9;
	_ =	strace $0x80000048  }
0xb6: {  	_ =	swait.ge [sflag:s29], $0x1  }
0xb7: {  	[sflag:s29] =	ssyncadd.s32 $0xFFFFFFFF  }
0xb8: {  	_ =	strace $0x90000048  }
0xb9: {  	_ =	sfence  }
0xba: {  	s30 =	sld [smem:$0x0];
	_ =	sdelay $0x2  }
0xbb: {  	s31 =	sshll.u32 s1, $0xD;
	s1 =	sshrl.u32 s1, $0x2  }
0xbc: {  	s3 =	sand.u32 $0x4000, s31;
	s1 =	sadd.s32 s1, s30  }
0xbd: {  	s0 =	sor.u32 s3, s0;
	s1 =	sshll.u32 s1, $0x11  }
0xbe: {  	s0 =	sor.u32 s1, s0  }
0xbf: {  	s0 =	sadd.s32 $0x8F2B, s0  }
0xc0: {  	[sflag:s0] =	ssyncadd.remote.s32 $0x1  }
0xc1: {  	_ =	sfence.sel $0xFFFF  }
0xc2: {  	[dreg:$0x0] =	wrdreg $0xFFFFFFFF;
	(pc) =	sbr.abs _section_cstart, $3  }
0xc3: {  	[dreg:$0x1] =	wrdreg $0xFFFFFFFF  }
0xc4: {  	_ =	task.clear_ibuf [dreg:s9], $0x2FFFF;
	_ =	strace $0x9FFFFFFF  }
0xc5: {  	(tm) =	ssettm $0x7FFFFFFF  }
tec
execute0_lowered:
.L_overlay_start_1:
0x0: {  	(tag) =	ssettag $0x1  }
0x1: {  	s2 =	rddreg [dreg:$0x0]  }
0x2: {  	s0 =	rddreg [dreg:$0x1];
	s11 =	stileid.u32  }
0x3: {  	s1 =	rddreg [dreg:$0x2];
	s3 =	srdreg.scid  }
0x4: {  	s12 =	simm.s32 $0x1A00;
	s13 =	simm.s32 $0x2200;
	s15 =	simm.s32 $0x2A00  }
0x5: {  	s14 =	simm.s32 $0x6A00;
	s28 =	simm.s32 $0x6;
	s29 =	simm.s32 $0x3  }
0x6: {  	s30 =	simm.s32 $0x7;
	s31 =	simm.s32 $0x4;
	s4 =	sshll.u32 s11, $0x1  }
0x7: {  	s5 =	sand.u32 $0x1, s3;
	s3 =	simm.s32 $0x0;
	s7 =	sshrl.u32 s11, $0x2  }
0x8: {  	s17 =	sand.u32 $0x3, s11;
	s11 =	simm.s32 $0x1200;
	s4 =	sand.u32 $0x6, s4  }
0x9: {  	s6 =	ssub.s32 $0x2, s5;
	s9 =	sshll.u32 s7, $0x4;
	[smem:$0x7FF] =	sst s3  }
0xa: {  	s7 =	sshll.u32 s7, $0x16;
	s4 =	sor.u32 s5, s4;
	s10 =	sshrl.u32 s6, $0x1  }
0xb: {  	_ =	strace $0x80000047;
	s5 =	sshll.u32 s5, $0x13;
	s8 =	sshll.u32 s4, $0x8  }
0xc: {  	s16 =	ssub.s32 s6, s10;
	s6 =	sadd.s32 $0x100, s2;
	s4 =	sshll.u32 s4, $0x13  }
0xd: {  	s10 =	simm.s32 $0x8200;
	s8 =	sor.u32 s9, s8;
	s4 =	sor.u32 s7, s4  }
0xe: {  	s26 =	smax.u32 s16, $0x1;
	s16 =	simm.s32 $0x3200;
	s9 =	simm.s32 $0xC200  }
0xf: {  	s0 =	sadd.s32 s0, s8;
	s4 =	sshrl.u32 s4, $0x3;
	[dreg:$0xe] =	wrdreg s26  }
0x10: {  	s8 =	sadd.s32 $0x300, s2;
	[dreg:$0x8] =	wrdreg s0;
	s0 =	sadd.s32 $0x40, s0  }
0x11: {  	s26 =	simm.s32 $0x2;
	s18 =	sadd.s32 s1, s4;
	[dreg:$0x9] =	wrdreg s0  }
0x12: {  	s0 =	sshll.u32 s17, $0x14;
	s20 =	sadd.s32 $0xE800, s18;
	[dreg:$0xa] =	wrdreg s18  }
0x13: {  	s21 =	sadd.s32 $0xF000, s18;
	s17 =	simm.s32 $0x3A00;
	[dreg:$0xb] =	wrdreg s20  }
0x14: {  	s0 =	sor.u32 s0, s7;
	s7 =	sadd.s32 $0x200, s2;
	[dreg:$0xc] =	wrdreg s21  }
0x15: {  	s20 =	simm.s32 $0x5A00;
	s21 =	simm.s32 $0x6200;
	s0 =	sor.u32 s5, s0  }
0x16: {  	s5 =	sadd.s32 $0xF800, s18;
	s18 =	simm.s32 $0x4A00;
	s19 =	sor.u32 $0x10000, s0  }
0x17: {  	[dreg:$0xd] =	wrdreg s5;
	s22 =	sor.u32 $0x4000, s0;
	s24 =	sor.u32 $0xC000, s0  }
0x18: {  	s0 =	sor.u32 $0x8000, s0;
	s4 =	sshrl.u32 s19, $0x3;
	s23 =	sshrl.u32 s22, $0x3  }
0x19: {  	s5 =	sshrl.u32 s24, $0x3;
	s0 =	sshrl.u32 s0, $0x3;
	s22 =	simm.s32 $0x200  }
0x1a: {  	s24 =	simm.s32 $0xA00;
	s19 =	simm.s32 $0x5200;
	s4 =	sadd.s32 s4, s1  }
0x1b: {  	s25 =	sadd.s32 s5, s1;
	s0 =	sadd.s32 s0, s1;
	[dreg:$0x4] =	wrdreg s4  }
0x1c: {  	v2 =	vlaneseq.u32;
	s5 =	simm.s32 $0x0;
	s4 =	sadd.s32 s23, s1;
	[dreg:$0x6] =	wrdreg s25  }
0x1d: {  	vm0 =	vmmov $0xffff;
	v1 =	vshrl.u32 v2, $0x3;
	[dreg:$0x7] =	wrdreg s0;
	s0 =	simm.s32 $0x4200;
	s23 =	simm.s32 $0x1  }
0x1e: {  	v0 =	vand.u32 $0x7, v2;
	v2 =	vor.u32 $0x8, v2;
	v1 =	vmul.u32 $0x8, v1;
	s25 =	simm.s32 $0x5;
	s1 =	simm.s32 $0x8;
	[dreg:$0x5] =	wrdreg s4  }
.LBB2_1:
0x1f: {  	[dreg:$0xf] =	wrdreg s5  }
0x20: {  	s4 =	rddreg [dreg:$0x8]  }
0x21: {  	[tilespmem:s3], [sflag:$0x9] =	stream.linear.gather [hbm4b:s4+s3], $0x80, $0x38;
	[tilespmem:$0x10200] =	vst v63  }
0x22: {  	s5 =	simm.s32 $0x80;
	s4 =	rddreg [dreg:$0x9]  }
0x23: {  	[tilespmem:s5], [sflag:$0xA] =	stream.strided.gather [hbm4b:s4+s5], $0x180, s22, s5, $0x38;
	[tilespmem:$0x10200] =	vst v63  }
0x24: {  	s5 =	simm.s32 $0x9  }
0x25: {  	_ =	swait.ge [sflag:s5], $0x80  }
0x26: {  	[sflag:s5] =	ssyncset.done $0x0  }
0x27: {  	[sflag:s5] =	ssyncadd.s32 $0xFFFFFF80  }
0x28: {  	v3 =	vld [tilespmem:$0x0];
	_ =	sdelay $0x4  }
0x29: {  	v4 =	vshll.u32 v3, $0x3  }
0x2a: {  	v3 =	vand.u32 $0x7, v3;
	v4 =	vand.u32 $0xFFFFFFC0, v4  }
0x2b: {  	v3 =	vor.u32 v3, v4  }
0x2c: {  	v4 =	vperm.xlane v3, v0;
	_ =	sdelay $0x1  }
0x2d: {  	v4 =	vadd.s32 v1, v4;
	_ =	sdelay $0x4  }
0x2e: {  	[tilespmem:s22], [sflag:$0x1] =	stream.indirect_vreg.gather [hbm4b:s2+s3], $0x80, v4, vm0, $0xb8;
	[tilespmem:$0x10200] =	vst v63  }
0x2f: {  	v3 =	vperm.xlane v3, v2  }
0x30: {  	[tilespmem:s24], [sflag:$0x1] =	stream.indirect_vreg.gather [hbm4b:s6+s3], $0x80, v4, vm0, $0xb8;
	[tilespmem:$0x10200] =	vst v63  }
0x31: {  	v3 =	vadd.s32 v1, v3  }
0x32: {  	[tilespmem:s11], [sflag:$0x1] =	stream.indirect_vreg.gather [hbm4b:s7+s3], $0x80, v4, vm0, $0xb8;
	[tilespmem:$0x10200] =	vst v63  }
0x33: {  	_ = 	snop  }
0x34: {  	[tilespmem:s12], [sflag:$0x1] =	stream.indirect_vreg.gather [hbm4b:s8+s3], $0x80, v4, vm0, $0xb8;
	[tilespmem:$0x10200] =	vst v63  }
0x35: {  	_ = 	snop  }
0x36: {  	[tilespmem:s13], [sflag:$0x1] =	stream.indirect_vreg.gather [hbm4b:s2+s3], $0x80, v3, vm0, $0xb8;
	[tilespmem:$0x10200] =	vst v63  }
0x37: {  	_ = 	snop  }
0x38: {  	[tilespmem:s15], [sflag:$0x1] =	stream.indirect_vreg.gather [hbm4b:s6+s3], $0x80, v3, vm0, $0xb8;
	[tilespmem:$0x10200] =	vst v63  }
0x39: {  	_ = 	snop  }
0x3a: {  	[tilespmem:s16], [sflag:$0x1] =	stream.indirect_vreg.gather [hbm4b:s7+s3], $0x80, v3, vm0, $0xb8;
	[tilespmem:$0x10200] =	vst v63  }
0x3b: {  	_ = 	snop  }
0x3c: {  	[tilespmem:s17], [sflag:$0x1] =	stream.indirect_vreg.gather [hbm4b:s8+s3], $0x80, v3, vm0, $0xb8;
	[tilespmem:$0x10200] =	vst v63  }
0x3d: {  	v3 =	vld [tilespmem:$0x10];
	_ =	sdelay $0x4  }
0x3e: {  	v61 =	vshll.u32 v3, $0x3  }
0x3f: {  	v3 =	vand.u32 $0x7, v3;
	v4 =	vand.u32 $0xFFFFFFC0, v61  }
0x40: {  	v3 =	vor.u32 v3, v4  }
0x41: {  	v4 =	vperm.xlane v3, v0;
	_ =	sdelay $0x1  }
0x42: {  	v4 =	vadd.s32 v1, v4;
	_ =	sdelay $0x4  }
0x43: {  	[tilespmem:s0], [sflag:$0x2] =	stream.indirect_vreg.gather [hbm4b:s2+s3], $0x80, v4, vm0, $0xb8;
	[tilespmem:$0x10200] =	vst v63  }
0x44: {  	v3 =	vperm.xlane v3, v2  }
0x45: {  	[tilespmem:s18], [sflag:$0x2] =	stream.indirect_vreg.gather [hbm4b:s6+s3], $0x80, v4, vm0, $0xb8;
	[tilespmem:$0x10200] =	vst v63  }
0x46: {  	v3 =	vadd.s32 v1, v3  }
0x47: {  	[tilespmem:s19], [sflag:$0x2] =	stream.indirect_vreg.gather [hbm4b:s7+s3], $0x80, v4, vm0, $0xb8;
	[tilespmem:$0x10200] =	vst v63  }
0x48: {  	_ = 	snop  }
0x49: {  	[tilespmem:s20], [sflag:$0x2] =	stream.indirect_vreg.gather [hbm4b:s8+s3], $0x80, v4, vm0, $0xb8;
	[tilespmem:$0x10200] =	vst v63  }
0x4a: {  	_ = 	snop  }
0x4b: {  	[tilespmem:s21], [sflag:$0x2] =	stream.indirect_vreg.gather [hbm4b:s2+s3], $0x80, v3, vm0, $0xb8;
	[tilespmem:$0x10200] =	vst v63  }
0x4c: {  	_ = 	snop  }
0x4d: {  	[tilespmem:s14], [sflag:$0x2] =	stream.indirect_vreg.gather [hbm4b:s6+s3], $0x80, v3, vm0, $0xb8;
	[tilespmem:$0x10200] =	vst v63  }
0x4e: {  	s20 =	simm.s32 $0x7200  }
0x4f: {  	[tilespmem:s20], [sflag:$0x2] =	stream.indirect_vreg.gather [hbm4b:s7+s3], $0x80, v3, vm0, $0xb8;
	[tilespmem:$0x10200] =	vst v63  }
0x50: {  	s21 =	simm.s32 $0x7A00  }
0x51: {  	[tilespmem:s21], [sflag:$0x2] =	stream.indirect_vreg.gather [hbm4b:s8+s3], $0x80, v3, vm0, $0xb8;
	[tilespmem:$0x10200] =	vst v63  }
0x52: {  	v3 =	vld [tilespmem:$0x20];
	_ =	sdelay $0x4  }
0x53: {  	v62 =	vshll.u32 v3, $0x3  }
0x54: {  	v3 =	vand.u32 $0x7, v3;
	v4 =	vand.u32 $0xFFFFFFC0, v62  }
0x55: {  	v3 =	vor.u32 v3, v4  }
0x56: {  	v4 =	vperm.xlane v3, v0;
	_ =	sdelay $0x1  }
0x57: {  	v4 =	vadd.s32 v1, v4;
	_ =	sdelay $0x4  }
0x58: {  	[tilespmem:s10], [sflag:$0x3] =	stream.indirect_vreg.gather [hbm4b:s2+s3], $0x80, v4, vm0, $0xb8;
	[tilespmem:$0x10200] =	vst v63  }
0x59: {  	s24 =	simm.s32 $0x8A00;
	v3 =	vperm.xlane v3, v2  }
0x5a: {  	[tilespmem:s24], [sflag:$0x3] =	stream.indirect_vreg.gather [hbm4b:s6+s3], $0x80, v4, vm0, $0xb8;
	[tilespmem:$0x10200] =	vst v63  }
0x5b: {  	s4 =	simm.s32 $0x9200;
	v3 =	vadd.s32 v1, v3  }
0x5c: {  	[tilespmem:s4], [sflag:$0x3] =	stream.indirect_vreg.gather [hbm4b:s7+s3], $0x80, v4, vm0, $0xb8;
	[tilespmem:$0x10200] =	vst v63  }
0x5d: {  	s5 =	simm.s32 $0x9A00  }
0x5e: {  	[tilespmem:s5], [sflag:$0x3] =	stream.indirect_vreg.gather [hbm4b:s8+s3], $0x80, v4, vm0, $0xb8;
	[tilespmem:$0x10200] =	vst v63  }
0x5f: {  	s10 =	simm.s32 $0xA200  }
0x60: {  	[tilespmem:s10], [sflag:$0x3] =	stream.indirect_vreg.gather [hbm4b:s2+s3], $0x80, v3, vm0, $0xb8;
	[tilespmem:$0x10200] =	vst v63  }
0x61: {  	s11 =	simm.s32 $0xAA00  }
0x62: {  	[tilespmem:s11], [sflag:$0x3] =	stream.indirect_vreg.gather [hbm4b:s6+s3], $0x80, v3, vm0, $0xb8;
	[tilespmem:$0x10200] =	vst v63  }
0x63: {  	s12 =	simm.s32 $0xB200  }
0x64: {  	[tilespmem:s12], [sflag:$0x3] =	stream.indirect_vreg.gather [hbm4b:s7+s3], $0x80, v3, vm0, $0xb8;
	[tilespmem:$0x10200] =	vst v63  }
0x65: {  	s13 =	simm.s32 $0xBA00  }
0x66: {  	[tilespmem:s13], [sflag:$0x3] =	stream.indirect_vreg.gather [hbm4b:s8+s3], $0x80, v3, vm0, $0xb8;
	[tilespmem:$0x10200] =	vst v63  }
0x67: {  	v3 =	vld [tilespmem:$0x30];
	_ =	sdelay $0x4  }
0x68: {  	v63 =	vshll.u32 v3, $0x3  }
0x69: {  	v3 =	vand.u32 $0x7, v3;
	v4 =	vand.u32 $0xFFFFFFC0, v63  }
0x6a: {  	v3 =	vor.u32 v3, v4  }
0x6b: {  	v4 =	vperm.xlane v3, v0;
	_ =	sdelay $0x1  }
0x6c: {  	v4 =	vadd.s32 v1, v4;
	_ =	sdelay $0x4  }
0x6d: {  	[tilespmem:s9], [sflag:$0x4] =	stream.indirect_vreg.gather [hbm4b:s2+s3], $0x80, v4, vm0, $0xb8;
	[tilespmem:$0x10200] =	vst v63  }
0x6e: {  	s14 =	simm.s32 $0xCA00;
	v3 =	vperm.xlane v3, v2  }
0x6f: {  	[tilespmem:s14], [sflag:$0x4] =	stream.indirect_vreg.gather [hbm4b:s6+s3], $0x80, v4, vm0, $0xb8;
	[tilespmem:$0x10200] =	vst v63  }
0x70: {  	s15 =	simm.s32 $0xD200;
	v3 =	vadd.s32 v1, v3  }
0x71: {  	[tilespmem:s15], [sflag:$0x4] =	stream.indirect_vreg.gather [hbm4b:s7+s3], $0x80, v4, vm0, $0xb8;
	[tilespmem:$0x10200] =	vst v63  }
0x72: {  	s16 =	simm.s32 $0xDA00  }
0x73: {  	[tilespmem:s16], [sflag:$0x4] =	stream.indirect_vreg.gather [hbm4b:s8+s3], $0x80, v4, vm0, $0xb8;
	[tilespmem:$0x10200] =	vst v63  }
0x74: {  	s17 =	simm.s32 $0xE200  }
0x75: {  	[tilespmem:s17], [sflag:$0x4] =	stream.indirect_vreg.gather [hbm4b:s2+s3], $0x80, v3, vm0, $0xb8;
	[tilespmem:$0x10200] =	vst v63  }
0x76: {  	s18 =	simm.s32 $0xEA00  }
0x77: {  	[tilespmem:s18], [sflag:$0x4] =	stream.indirect_vreg.gather [hbm4b:s6+s3], $0x80, v3, vm0, $0xb8;
	[tilespmem:$0x10200] =	vst v63  }
0x78: {  	s19 =	simm.s32 $0xF200;
	s20 =	simm.s32 $0xFA00  }
0x79: {  	[tilespmem:s19], [sflag:$0x4] =	stream.indirect_vreg.gather [hbm4b:s7+s3], $0x80, v3, vm0, $0xb8;
	[tilespmem:$0x10200] =	vst v63  }
0x7a: {  	s24 =	simm.s32 $0xA;
	s5 =	simm.s32 $0x0;
	s12 =	simm.s32 $0x1A00  }
0x7b: {  	[tilespmem:s20], [sflag:$0x4] =	stream.indirect_vreg.gather [hbm4b:s8+s3], $0x80, v3, vm0, $0xb8;
	[tilespmem:$0x10200] =	vst v63  }
0x7c: {  	s13 =	simm.s32 $0x2200;
	s14 =	simm.s32 $0x6A00;
	_ =	swait.ge [sflag:s23], $0x4000  }
0x7d: {  	s15 =	simm.s32 $0x70;
	s16 =	simm.s32 $0x2A00;
	[sflag:s23] =	ssyncset.done $0x0  }
0x7e: {  	s17 =	simm.s32 $0x3200;
	s21 =	rddreg [dreg:$0xa];
	[sflag:s23] =	ssyncadd.s32 $0xFFFFC000  }
0x7f: {  	[hbm4b:s21+s3] =	stream.linear.scatter [tilespmem:s22], [sflag:$0x5], $0x4000, $0x38;
	[tilespmem:$0x10200] =	vst v63  }
0x80: {  	s18 =	simm.s32 $0x3A00;
	s19 =	simm.s32 $0x4A00;
	_ =	swait.ge [sflag:s24], $0x180  }
0x81: {  	s20 =	simm.s32 $0x5200;
	s22 =	simm.s32 $0x6200;
	[sflag:s24] =	ssyncset.done $0x0  }
0x82: {  	s21 =	simm.s32 $0x5A00;
	[sflag:s24] =	ssyncadd.s32 $0xFFFFFE80;
	s24 =	simm.s32 $0x200  }
.LBB2_2:
0x83: {  	_ =	swait.ge [sflag:s25], $0x4000  }
0x84: {  	[sflag:s25] =	ssyncset.done $0x0  }
0x85: {  	[sflag:s25] =	ssyncadd.s32 $0xFFFFC000  }
0x86: {  	v3 =	vld [tilespmem:s15+$0xFFFFFFD0];
	_ =	sdelay $0x4  }
0x87: {  	v4 =	vshll.u32 v3, $0x3  }
0x88: {  	v3 =	vand.u32 $0x7, v3;
	v4 =	vand.u32 $0xFFFFFFC0, v4  }
0x89: {  	v3 =	vor.u32 v3, v4  }
0x8a: {  	v4 =	vperm.xlane v3, v0;
	_ =	sdelay $0x1  }
0x8b: {  	v4 =	vadd.s32 v1, v4;
	_ =	sdelay $0x4  }
0x8c: {  	[tilespmem:s24], [sflag:$0x1] =	stream.indirect_vreg.gather [hbm4b:s2+s3], $0x80, v4, vm0, $0xb8;
	[tilespmem:$0x10200] =	vst v63  }
0x8d: {  	s0 =	simm.s32 $0xA00;
	v3 =	vperm.xlane v3, v2  }
0x8e: {  	[tilespmem:s0], [sflag:$0x1] =	stream.indirect_vreg.gather [hbm4b:s6+s3], $0x80, v4, vm0, $0xb8;
	[tilespmem:$0x10200] =	vst v63  }
0x8f: {  	s4 =	simm.s32 $0x1200;
	v3 =	vadd.s32 v1, v3  }
0x90: {  	[tilespmem:s4], [sflag:$0x1] =	stream.indirect_vreg.gather [hbm4b:s7+s3], $0x80, v4, vm0, $0xb8;
	[tilespmem:$0x10200] =	vst v63  }
0x91: {  	_ = 	snop  }
0x92: {  	[tilespmem:s12], [sflag:$0x1] =	stream.indirect_vreg.gather [hbm4b:s8+s3], $0x80, v4, vm0, $0xb8;
	[tilespmem:$0x10200] =	vst v63  }
0x93: {  	_ = 	snop  }
0x94: {  	[tilespmem:s13], [sflag:$0x1] =	stream.indirect_vreg.gather [hbm4b:s2+s3], $0x80, v3, vm0, $0xb8;
	[tilespmem:$0x10200] =	vst v63  }
0x95: {  	_ = 	snop  }
0x96: {  	[tilespmem:s16], [sflag:$0x1] =	stream.indirect_vreg.gather [hbm4b:s6+s3], $0x80, v3, vm0, $0xb8;
	[tilespmem:$0x10200] =	vst v63  }
0x97: {  	_ = 	snop  }
0x98: {  	[tilespmem:s17], [sflag:$0x1] =	stream.indirect_vreg.gather [hbm4b:s7+s3], $0x80, v3, vm0, $0xb8;
	[tilespmem:$0x10200] =	vst v63  }
0x99: {  	_ = 	snop  }
0x9a: {  	[tilespmem:s18], [sflag:$0x1] =	stream.indirect_vreg.gather [hbm4b:s8+s3], $0x80, v3, vm0, $0xb8;
	[tilespmem:$0x10200] =	vst v63  }
0x9b: {  	_ =	swait.ge [sflag:s26], $0x4000  }
0x9c: {  	s4 =	rddreg [dreg:$0x5];
	[sflag:s26] =	ssyncset.done $0x0  }
0x9d: {  	s10 =	simm.s32 $0x4200;
	[sflag:s26] =	ssyncadd.s32 $0xFFFFC000;
	s4 =	sadd.s32 s5, s4  }
0x9e: {  	[hbm4b:s4+s3] =	stream.linear.scatter [tilespmem:s10], [sflag:$0x6], $0x4000, $0x38;
	[tilespmem:$0x10200] =	vst v63  }
0x9f: {  	_ =	swait.ge [sflag:s28], $0x4000  }
0xa0: {  	[sflag:s28] =	ssyncset.done $0x0  }
0xa1: {  	[sflag:s28] =	ssyncadd.s32 $0xFFFFC000  }
0xa2: {  	v3 =	vld [tilespmem:s15+$0xFFFFFFE0];
	_ =	sdelay $0x4  }
0xa3: {  	v61 =	vshll.u32 v3, $0x3  }
0xa4: {  	v3 =	vand.u32 $0x7, v3;
	v4 =	vand.u32 $0xFFFFFFC0, v61  }
0xa5: {  	v3 =	vor.u32 v3, v4  }
0xa6: {  	v4 =	vperm.xlane v3, v0;
	_ =	sdelay $0x1  }
0xa7: {  	v4 =	vadd.s32 v1, v4;
	_ =	sdelay $0x4  }
0xa8: {  	[tilespmem:s10], [sflag:$0x2] =	stream.indirect_vreg.gather [hbm4b:s2+s3], $0x80, v4, vm0, $0xb8;
	[tilespmem:$0x10200] =	vst v63  }
0xa9: {  	v3 =	vperm.xlane v3, v2  }
0xaa: {  	[tilespmem:s19], [sflag:$0x2] =	stream.indirect_vreg.gather [hbm4b:s6+s3], $0x80, v4, vm0, $0xb8;
	[tilespmem:$0x10200] =	vst v63  }
0xab: {  	v3 =	vadd.s32 v1, v3  }
0xac: {  	[tilespmem:s20], [sflag:$0x2] =	stream.indirect_vreg.gather [hbm4b:s7+s3], $0x80, v4, vm0, $0xb8;
	[tilespmem:$0x10200] =	vst v63  }
0xad: {  	_ = 	snop  }
0xae: {  	[tilespmem:s21], [sflag:$0x2] =	stream.indirect_vreg.gather [hbm4b:s8+s3], $0x80, v4, vm0, $0xb8;
	[tilespmem:$0x10200] =	vst v63  }
0xaf: {  	_ = 	snop  }
0xb0: {  	[tilespmem:s22], [sflag:$0x2] =	stream.indirect_vreg.gather [hbm4b:s2+s3], $0x80, v3, vm0, $0xb8;
	[tilespmem:$0x10200] =	vst v63  }
0xb1: {  	_ = 	snop  }
0xb2: {  	[tilespmem:s14], [sflag:$0x2] =	stream.indirect_vreg.gather [hbm4b:s6+s3], $0x80, v3, vm0, $0xb8;
	[tilespmem:$0x10200] =	vst v63  }
0xb3: {  	s10 =	simm.s32 $0x7200  }
0xb4: {  	[tilespmem:s10], [sflag:$0x2] =	stream.indirect_vreg.gather [hbm4b:s7+s3], $0x80, v3, vm0, $0xb8;
	[tilespmem:$0x10200] =	vst v63  }
0xb5: {  	s11 =	simm.s32 $0x7A00  }
0xb6: {  	[tilespmem:s11], [sflag:$0x2] =	stream.indirect_vreg.gather [hbm4b:s8+s3], $0x80, v3, vm0, $0xb8;
	[tilespmem:$0x10200] =	vst v63  }
0xb7: {  	_ =	swait.ge [sflag:s29], $0x4000  }
0xb8: {  	s10 =	rddreg [dreg:$0x7];
	[sflag:s29] =	ssyncset.done $0x0  }
0xb9: {  	s11 =	simm.s32 $0x8200;
	[sflag:s29] =	ssyncadd.s32 $0xFFFFC000;
	s4 =	sadd.s32 s5, s10  }
0xba: {  	[hbm4b:s4+s3] =	stream.linear.scatter [tilespmem:s11], [sflag:$0x7], $0x4000, $0x38;
	[tilespmem:$0x10200] =	vst v63  }
0xbb: {  	_ =	swait.ge [sflag:s30], $0x4000  }
0xbc: {  	[sflag:s30] =	ssyncset.done $0x0  }
0xbd: {  	[sflag:s30] =	ssyncadd.s32 $0xFFFFC000  }
0xbe: {  	v3 =	vld [tilespmem:s15+$0xFFFFFFF0];
	_ =	sdelay $0x4  }
0xbf: {  	v62 =	vshll.u32 v3, $0x3  }
0xc0: {  	v3 =	vand.u32 $0x7, v3;
	v4 =	vand.u32 $0xFFFFFFC0, v62  }
0xc1: {  	v3 =	vor.u32 v3, v4  }
0xc2: {  	v4 =	vperm.xlane v3, v0;
	_ =	sdelay $0x1  }
0xc3: {  	v4 =	vadd.s32 v1, v4;
	_ =	sdelay $0x4  }
0xc4: {  	[tilespmem:s11], [sflag:$0x3] =	stream.indirect_vreg.gather [hbm4b:s2+s3], $0x80, v4, vm0, $0xb8;
	[tilespmem:$0x10200] =	vst v63  }
0xc5: {  	v3 =	vperm.xlane v3, v2;
	s11 =	simm.s32 $0x8A00  }
0xc6: {  	[tilespmem:s11], [sflag:$0x3] =	stream.indirect_vreg.gather [hbm4b:s6+s3], $0x80, v4, vm0, $0xb8;
	[tilespmem:$0x10200] =	vst v63  }
0xc7: {  	v3 =	vadd.s32 v1, v3;
	s11 =	simm.s32 $0x9200  }
0xc8: {  	[tilespmem:s11], [sflag:$0x3] =	stream.indirect_vreg.gather [hbm4b:s7+s3], $0x80, v4, vm0, $0xb8;
	[tilespmem:$0x10200] =	vst v63  }
0xc9: {  	s11 =	simm.s32 $0x9A00  }
0xca: {  	[tilespmem:s11], [sflag:$0x3] =	stream.indirect_vreg.gather [hbm4b:s8+s3], $0x80, v4, vm0, $0xb8;
	[tilespmem:$0x10200] =	vst v63  }
0xcb: {  	s11 =	simm.s32 $0xA200  }
0xcc: {  	[tilespmem:s11], [sflag:$0x3] =	stream.indirect_vreg.gather [hbm4b:s2+s3], $0x80, v3, vm0, $0xb8;
	[tilespmem:$0x10200] =	vst v63  }
0xcd: {  	s11 =	simm.s32 $0xAA00  }
0xce: {  	[tilespmem:s11], [sflag:$0x3] =	stream.indirect_vreg.gather [hbm4b:s6+s3], $0x80, v3, vm0, $0xb8;
	[tilespmem:$0x10200] =	vst v63  }
0xcf: {  	s11 =	simm.s32 $0xB200  }
0xd0: {  	[tilespmem:s11], [sflag:$0x3] =	stream.indirect_vreg.gather [hbm4b:s7+s3], $0x80, v3, vm0, $0xb8;
	[tilespmem:$0x10200] =	vst v63  }
0xd1: {  	s11 =	simm.s32 $0xBA00  }
0xd2: {  	[tilespmem:s11], [sflag:$0x3] =	stream.indirect_vreg.gather [hbm4b:s8+s3], $0x80, v3, vm0, $0xb8;
	[tilespmem:$0x10200] =	vst v63  }
0xd3: {  	_ =	swait.ge [sflag:s31], $0x4000  }
0xd4: {  	s11 =	rddreg [dreg:$0x6];
	[sflag:s31] =	ssyncset.done $0x0  }
0xd5: {  	[sflag:s31] =	ssyncadd.s32 $0xFFFFC000;
	s4 =	sadd.s32 s5, s11  }
0xd6: {  	[hbm4b:s4+s3] =	stream.linear.scatter [tilespmem:s9], [sflag:$0x8], $0x4000, $0x38;
	[tilespmem:$0x10200] =	vst v63  }
0xd7: {  	_ =	swait.ge [sflag:s1], $0x4000  }
0xd8: {  	[sflag:s1] =	ssyncset.done $0x0  }
0xd9: {  	[sflag:s1] =	ssyncadd.s32 $0xFFFFC000  }
0xda: {  	v3 =	vld [tilespmem:s15+$0x0];
	_ =	sdelay $0x4  }
0xdb: {  	v63 =	vshll.u32 v3, $0x3  }
0xdc: {  	v3 =	vand.u32 $0x7, v3;
	v4 =	vand.u32 $0xFFFFFFC0, v63  }
0xdd: {  	v3 =	vor.u32 v3, v4  }
0xde: {  	v4 =	vperm.xlane v3, v0;
	_ =	sdelay $0x1  }
0xdf: {  	v4 =	vadd.s32 v1, v4;
	_ =	sdelay $0x4  }
0xe0: {  	[tilespmem:s9], [sflag:$0x4] =	stream.indirect_vreg.gather [hbm4b:s2+s3], $0x80, v4, vm0, $0xb8;
	[tilespmem:$0x10200] =	vst v63  }
0xe1: {  	s11 =	simm.s32 $0xCA00;
	v3 =	vperm.xlane v3, v2  }
0xe2: {  	[tilespmem:s11], [sflag:$0x4] =	stream.indirect_vreg.gather [hbm4b:s6+s3], $0x80, v4, vm0, $0xb8;
	[tilespmem:$0x10200] =	vst v63  }
0xe3: {  	v3 =	vadd.s32 v1, v3;
	s11 =	simm.s32 $0xD200  }
0xe4: {  	[tilespmem:s11], [sflag:$0x4] =	stream.indirect_vreg.gather [hbm4b:s7+s3], $0x80, v4, vm0, $0xb8;
	[tilespmem:$0x10200] =	vst v63  }
0xe5: {  	s11 =	simm.s32 $0xDA00  }
0xe6: {  	[tilespmem:s11], [sflag:$0x4] =	stream.indirect_vreg.gather [hbm4b:s8+s3], $0x80, v4, vm0, $0xb8;
	[tilespmem:$0x10200] =	vst v63  }
0xe7: {  	s11 =	simm.s32 $0xE200  }
0xe8: {  	[tilespmem:s11], [sflag:$0x4] =	stream.indirect_vreg.gather [hbm4b:s2+s3], $0x80, v3, vm0, $0xb8;
	[tilespmem:$0x10200] =	vst v63  }
0xe9: {  	s11 =	simm.s32 $0xEA00  }
0xea: {  	[tilespmem:s11], [sflag:$0x4] =	stream.indirect_vreg.gather [hbm4b:s6+s3], $0x80, v3, vm0, $0xb8;
	[tilespmem:$0x10200] =	vst v63  }
0xeb: {  	s11 =	simm.s32 $0xF200  }
0xec: {  	[tilespmem:s11], [sflag:$0x4] =	stream.indirect_vreg.gather [hbm4b:s7+s3], $0x80, v3, vm0, $0xb8;
	[tilespmem:$0x10200] =	vst v63  }
0xed: {  	p0 =	sne.s32 s5, $0xC000;
	s11 =	simm.s32 $0xFA00  }
0xee: {  	[tilespmem:s11], [sflag:$0x4] =	stream.indirect_vreg.gather [hbm4b:s8+s3], $0x80, v3, vm0, $0xb8;
	[tilespmem:$0x10200] =	vst v63  }
.Ltmp0:
0xef: {  	_ = 	snop;
	(pc) =	sbr.rel @p0 .LBB2_2-.Ltmp0, $4  }
0xf0: {  	s0 =	simm.s32 $0x4200;
	s10 =	simm.s32 $0x8200;
	_ =	swait.ge [sflag:s23], $0x4000  }
0xf1: {  	s15 =	sadd.s32 $0x40, s15;
	s11 =	rddreg [dreg:$0x4];
	[sflag:s23] =	ssyncset.done $0x0  }
0xf2: {  	[sflag:s23] =	ssyncadd.s32 $0xFFFFC000;
	s4 =	sadd.s32 s5, s11;
	s5 =	sadd.s32 $0x2000, s5  }
0xf3: {  	[hbm4b:s4+s3] =	stream.linear.scatter [tilespmem:s24], [sflag:$0x5], $0x4000, $0x38;
	[tilespmem:$0x10200] =	vst v63  }
0xf4: {  	_ =	swait.ge [sflag:s26], $0x4000  }
0xf5: {  	[sflag:s26] =	ssyncset.done $0x0  }
0xf6: {  	s4 =	rddreg [dreg:$0xb];
	[sflag:s26] =	ssyncadd.s32 $0xFFFFC000  }
0xf7: {  	[hbm4b:s4+s3] =	stream.linear.scatter [tilespmem:s0], [sflag:$0x6], $0x4000, $0x38;
	[tilespmem:$0x10200] =	vst v63  }
0xf8: {  	_ =	swait.ge [sflag:s29], $0x4000  }
0xf9: {  	[sflag:s29] =	ssyncset.done $0x0  }
0xfa: {  	s21 =	rddreg [dreg:$0xc];
	[sflag:s29] =	ssyncadd.s32 $0xFFFFC000  }
0xfb: {  	[hbm4b:s21+s3] =	stream.linear.scatter [tilespmem:s10], [sflag:$0x7], $0x4000, $0x38;
	[tilespmem:$0x10200] =	vst v63  }
0xfc: {  	_ =	swait.ge [sflag:s31], $0x4000  }
0xfd: {  	[sflag:s31] =	ssyncset.done $0x0  }
0xfe: {  	s22 =	rddreg [dreg:$0xd];
	[sflag:s31] =	ssyncadd.s32 $0xFFFFC000  }
0xff: {  	[hbm4b:s22+s3] =	stream.linear.scatter [tilespmem:s9], [sflag:$0x8], $0x4000, $0x38;
	[tilespmem:$0x10200] =	vst v63  }
0x100: {  	_ =	swait.ge [sflag:s25], $0x4000  }
0x101: {  	[sflag:s25] =	ssyncset.done $0x0  }
0x102: {  	[sflag:s25] =	ssyncadd.s32 $0xFFFFC000  }
0x103: {  	_ =	swait.ge [sflag:s28], $0x4000  }
0x104: {  	[sflag:s28] =	ssyncset.done $0x0  }
0x105: {  	[sflag:s28] =	ssyncadd.s32 $0xFFFFC000  }
0x106: {  	_ =	swait.ge [sflag:s30], $0x4000  }
0x107: {  	[sflag:s30] =	ssyncset.done $0x0  }
0x108: {  	[sflag:s30] =	ssyncadd.s32 $0xFFFFC000  }
0x109: {  	_ =	swait.ge [sflag:s1], $0x4000  }
0x10a: {  	s5 =	rddreg [dreg:$0xf]  }
0x10b: {  	s24 =	rddreg [dreg:$0xe];
	s5 =	sadd.s32 $0x1, s5  }
0x10c: {  	s11 =	simm.s32 $0x1200;
	p0 =	sne.s32 s5, s24  }
.Ltmp1:
0x10d: {  	s12 =	simm.s32 $0x1A00;
	s13 =	simm.s32 $0x2200;
	(pc) =	sbr.rel @p0 .LBB2_1-.Ltmp1, $4  }
0x10e: {  	s15 =	simm.s32 $0x2A00;
	s16 =	simm.s32 $0x3200;
	s17 =	simm.s32 $0x3A00  }
0x10f: {  	s18 =	simm.s32 $0x4A00;
	s19 =	simm.s32 $0x5200;
	s20 =	simm.s32 $0x5A00  }
0x110: {  	s14 =	simm.s32 $0x6A00;
	s21 =	simm.s32 $0x6200;
	[sflag:s1] =	ssyncset.done $0x0  }
0x111: {  	s22 =	simm.s32 $0x200;
	[sflag:s1] =	ssyncadd.s32 $0xFFFFC000;
	s24 =	simm.s32 $0xA00  }
0x112: {  	_ =	sfence.sel $0x180000  }
0x113: {  	[bflag:$0x0] =	sbarrier.arrive $0xFFFF  }
0x114: {  	_ =	strace $0x90000047  }
0x115: {  	s0 =	stileid.u32;
	[bflag:$0x2] =	sbarrier.arrive $0xFFFF  }
0x116: {  	p0 =	sne.s32 s0, $0x0;
	s0 =	rddreg [dreg:$0x3]  }
0x117: {  	s0 =	sadd.s32 @!p0 $0x100000, s0  }
0x118: {  	[sflag:s0] =	ssyncadd.tile.s32 @!p0 $0x1;
	_ =	shalt  }
.Lfunc_end2:
_tile_overlayer_lowered:
.L_overlay_start_2:
0x119: {  	(tag) =	ssettag $0x2  }
0x11a: {  	s0 =	rddreg [dreg:$0x0];
	s2 =	stileid.u32  }
0x11b: {  	s1 =	rddreg [dreg:$0x1];
	p0 =	sne.s32 s2, $0x0  }
0x11c: {  	s3 =	rddreg [dreg:$0x2];
	[bflag:$0x3] =	sbarrier.arrive $0xFFFF;
	s2 =	simm.s32 @!p0 $0x1C0B  }
0x11d: {  	[timem:s3], [sflag:s2] =	dma.local @!p0 [hbm:s0], s1  }
0x11e: {  	s0 =	simm.s32 @!p0 $0xB  }
0x11f: {  	_ =	swait.ge @!p0 [sflag:s0], s1  }
0x120: {  	s1 =	ssub.s32 @!p0 $0x0, s1;
	[sflag:s0] =	ssyncset.done @!p0 $0x0  }
0x121: {  	[sflag:s0] =	ssyncadd.s32 @!p0 s1  }
0x122: {  	[bflag:$0x3] =	sbarrier.arrive $0xFFFF  }
0x123: {  	_ =	shalt  }

</sc_bundles>
